<compile_context>
chip_gen: v7x
topology: tpu7x:2x2x1
jax: 0.10.2.dev20260603
libtpu: 0.0.44.dev20260713+nightly
codegen_flags: <defaults>
</compile_context>

<pallas_src>
import functools

import jax
import jax.numpy as jnp
from jax import lax
from jax.experimental import pallas as pl
from jax.experimental.pallas import tpu as pltpu
from jax.experimental.pallas import tpu_sc as plsc

E = 320000
D = 128
NC = 2
NS = 16
NW = NC * NS
EPW = E // NW
CH = 80
NCHUNK = EPW // CH
NG = CH // 16
DU = 8
NBUF = 4


def _sc_body(acc_hbm, txn_hbm, src_hbm, dst_hbm, out_hbm,
             src_v, dst_v, out_v,
             ra0, rt0, ra1, rt1, ra2, rt2, ra3, rt3,
             sa0, st0, sa1, st1, sa2, st2, sa3, st3, sem_idx):
    wid = lax.axis_index("s") * NC + lax.axis_index("c")
    base = wid * EPW
    bufs = ((ra0, rt0, sa0, st0), (ra1, rt1, sa1, st1),
            (ra2, rt2, sa2, st2), (ra3, rt3, sa3, st3))

    cp_s = pltpu.make_async_copy(src_hbm.at[pl.ds(base, EPW)], src_v, sem_idx)
    cp_d = pltpu.make_async_copy(dst_hbm.at[pl.ds(base, EPW)], dst_v, sem_idx)
    cp_s.start()
    cp_d.start()
    cp_s.wait()
    cp_d.wait()

    def fetch(c, b):
        ra, rt, sa, st = bufs[b]
        pltpu.make_async_copy(
            acc_hbm.at[src_v.at[pl.ds(c * CH, CH)]], ra, sa).start()
        pltpu.make_async_copy(
            txn_hbm.at[dst_v.at[pl.ds(c * CH, CH)]], rt, st).start()

    def consume(i, b):
        ra, rt, sa, st = bufs[b]
        pltpu.make_async_copy(
            acc_hbm.at[src_v.at[pl.ds(i * CH, CH)]], ra, sa).wait()
        pltpu.make_async_copy(
            txn_hbm.at[dst_v.at[pl.ds(i * CH, CH)]], rt, st).wait()

        def group_body(g, _):
            eidx = g * 16 + lax.iota(jnp.int32, 16)

            def d_body(j, carry):
                acc, dvec = carry
                for _ in range(DU):
                    va = plsc.load_gather(ra, [eidx, dvec])
                    vt = plsc.load_gather(rt, [eidx, dvec])
                    acc = acc + va * vt
                    dvec = jnp.bitwise_and(dvec + 1, D - 1)
                return (acc, dvec)

            acc, _ = lax.fori_loop(
                0, D // DU, d_body,
                (jnp.zeros((16,), jnp.float32), lax.iota(jnp.int32, 16)))
            sig = 1.0 / (1.0 + jnp.exp(-acc))
            out_v[pl.ds(i * CH + g * 16, 16)] = sig
            return 0

        lax.fori_loop(0, NG, group_body, 0)

    for b in range(NBUF):
        fetch(b, b)

    def ring_body(k, _):
        i0 = k * NBUF
        for b in range(NBUF):
            i = i0 + b
            consume(i, b)

            @pl.when(i + NBUF < NCHUNK)
            def _():
                fetch(i + NBUF, b)
        return 0

    lax.fori_loop(0, (NCHUNK - 1) // NBUF, ring_body, 0)
    consume(NCHUNK - 1, (NCHUNK - 1) % NBUF)

    pltpu.sync_copy(out_v, out_hbm.at[pl.ds(base, EPW)])


@jax.jit
def _run(acc_emb, txn_emb, src, dst):
    mesh = plsc.VectorSubcoreMesh(core_axis_name="c", subcore_axis_name="s")
    k = functools.partial(
        pl.kernel,
        mesh=mesh,
        compiler_params=pltpu.CompilerParams(needs_layout_passes=False),
        out_type=jax.ShapeDtypeStruct((E,), jnp.float32),
        scratch_types=[
            pltpu.VMEM((EPW,), jnp.int32),
            pltpu.VMEM((EPW,), jnp.int32),
            pltpu.VMEM((EPW,), jnp.float32),
        ] + [pltpu.VMEM((CH, D), jnp.float32)] * (2 * NBUF)
          + [pltpu.SemaphoreType.DMA] * (2 * NBUF + 1),
    )(_sc_body)
    return k(acc_emb, txn_emb, src, dst)


def kernel(account_embeddings, transaction_embeddings, edge_index):
    src = edge_index[0].astype(jnp.int32)
    dst = edge_index[1].astype(jnp.int32)
    return _run(account_embeddings, transaction_embeddings, src, dst)

# --- scband reference (transcript-rebuilt; emitter-appended) ---
"""Pipeline reference for scband-graph-decoder-84662395339216 (READ-ONLY COPY).

The authoritative reference and input builder live on the scoring server;
editing this copy changes nothing except your own understanding.
"""

import jax, jax.numpy as jnp
import numpy as np


def setup_inputs(seed: int = 0) -> dict:
    key = jax.random.key(seed)
    k1, k2, k3 = jax.random.split(key, 3)
    account_embeddings = jax.random.normal(k1, (10000, 128), dtype=jnp.float32)
    transaction_embeddings = jax.random.normal(k2, (10000, 128), dtype=jnp.float32)
    edge_index = jax.random.randint(k3, (2, 320000), 0, 10000, dtype=jnp.int64)
    return {
        "account_embeddings": account_embeddings,
        "transaction_embeddings": transaction_embeddings,
        "edge_index": edge_index,
    }


def reference(account_embeddings, transaction_embeddings, edge_index):
    src = edge_index[0]
    dst = edge_index[1]
    # gather rows for each edge endpoint (SparseCore-friendly gather)
    a = jnp.take(account_embeddings, src, axis=0)
    t = jnp.take(transaction_embeddings, dst, axis=0)
    scores = jnp.sum(a * t, axis=-1)
    return jax.nn.sigmoid(scores)

if __name__ == "__main__":
    import jax
    _d = setup_inputs()
    print(jax.jit(kernel)(*tuple(_d.values())))

</pallas_src>

<mosaic_0001>
#map = affine_map<(d0, d1) -> (0, 0)>
#map1 = affine_map<(d0, d1) -> (0)>
module attributes {stable_mosaic.version = 14 : i64} {
  func.func @_sc_body(%arg0: i32, %arg1: i32, %arg2: memref<10000x128xf32, #tpu.memory_space<hbm>>, %arg3: memref<10000x128xf32, #tpu.memory_space<hbm>>, %arg4: memref<320000xi32, #tpu.memory_space<hbm>>, %arg5: memref<320000xi32, #tpu.memory_space<hbm>>, %arg6: memref<320000xf32, #tpu.memory_space<hbm>>, %arg7: memref<10000xi32, #tpu.memory_space<vmem>>, %arg8: memref<10000xi32, #tpu.memory_space<vmem>>, %arg9: memref<10000xf32, #tpu.memory_space<vmem>>, %arg10: memref<80x128xf32, #tpu.memory_space<vmem>>, %arg11: memref<80x128xf32, #tpu.memory_space<vmem>>, %arg12: memref<80x128xf32, #tpu.memory_space<vmem>>, %arg13: memref<80x128xf32, #tpu.memory_space<vmem>>, %arg14: memref<80x128xf32, #tpu.memory_space<vmem>>, %arg15: memref<80x128xf32, #tpu.memory_space<vmem>>, %arg16: memref<80x128xf32, #tpu.memory_space<vmem>>, %arg17: memref<80x128xf32, #tpu.memory_space<vmem>>, %arg18: memref<!tpu.dma_semaphore, #tpu.memory_space<semaphore_mem>>, %arg19: memref<!tpu.dma_semaphore, #tpu.memory_space<semaphore_mem>>, %arg20: memref<!tpu.dma_semaphore, #tpu.memory_space<semaphore_mem>>, %arg21: memref<!tpu.dma_semaphore, #tpu.memory_space<semaphore_mem>>, %arg22: memref<!tpu.dma_semaphore, #tpu.memory_space<semaphore_mem>>, %arg23: memref<!tpu.dma_semaphore, #tpu.memory_space<semaphore_mem>>, %arg24: memref<!tpu.dma_semaphore, #tpu.memory_space<semaphore_mem>>, %arg25: memref<!tpu.dma_semaphore, #tpu.memory_space<semaphore_mem>>, %arg26: memref<!tpu.dma_semaphore, #tpu.memory_space<semaphore_mem>>) attributes {dimension_semantics = [#tpu.dimension_semantics<core_parallel>, #tpu.dimension_semantics<subcore_parallel>], iteration_bounds = array<i64: 2, 16>, scalar_prefetch = 0 : i64, scratch_operands = 20 : i64, tpu.core_type = #tpu.core_type<sc_vector_subcore>, window_params = [{transform_indices = #map}, {transform_indices = #map}, {transform_indices = #map1}, {transform_indices = #map1}, {transform_indices = #map1}]} {
    %mul3A = arith.constant 2 : i32
    %mul3A_0 = arith.muli %arg1, %mul3A : i32
    %add3A = arith.addi %mul3A_0, %arg0 : i32
    %mul3A_1 = arith.constant 10000 : i32
    %mul3A_2 = arith.muli %add3A, %mul3A_1 : i32
    %dma_start3A = tpu.memref_slice %arg4[%mul3A_2] : memref<320000xi32, #tpu.memory_space<hbm>> -> memref<10000xi32, #tpu.memory_space<hbm>>
    %dma_start3A_3 = tpu.memref_slice %arg4[%mul3A_2] : memref<320000xi32, #tpu.memory_space<hbm>> -> memref<10000xi32, #tpu.memory_space<hbm>>
    tpu.enqueue_dma source(%dma_start3A_3 : memref<10000xi32, #tpu.memory_space<hbm>>) target(%arg7 : memref<10000xi32, #tpu.memory_space<vmem>>) target_semaphore(%arg26 : memref<!tpu.dma_semaphore, #tpu.memory_space<semaphore_mem>>)
    %dma_start3A_4 = tpu.memref_slice %arg5[%mul3A_2] : memref<320000xi32, #tpu.memory_space<hbm>> -> memref<10000xi32, #tpu.memory_space<hbm>>
    %dma_start3A_5 = tpu.memref_slice %arg5[%mul3A_2] : memref<320000xi32, #tpu.memory_space<hbm>> -> memref<10000xi32, #tpu.memory_space<hbm>>
    tpu.enqueue_dma source(%dma_start3A_5 : memref<10000xi32, #tpu.memory_space<hbm>>) target(%arg8 : memref<10000xi32, #tpu.memory_space<vmem>>) target_semaphore(%arg26 : memref<!tpu.dma_semaphore, #tpu.memory_space<semaphore_mem>>)
    %dma_wait3A = tpu.memref_slice %arg4[%mul3A_2] : memref<320000xi32, #tpu.memory_space<hbm>> -> memref<10000xi32, #tpu.memory_space<hbm>>
    %dma_wait3A_6 = tpu.memref_slice %arg4[%mul3A_2] : memref<320000xi32, #tpu.memory_space<hbm>> -> memref<10000xi32, #tpu.memory_space<hbm>>
    tpu.wait_dma2 semaphore(%arg26 : memref<!tpu.dma_semaphore, #tpu.memory_space<semaphore_mem>>) src(%dma_wait3A_6 : memref<10000xi32, #tpu.memory_space<hbm>>) dst(%arg7 : memref<10000xi32, #tpu.memory_space<vmem>>)
    %dma_wait3A_7 = tpu.memref_slice %arg5[%mul3A_2] : memref<320000xi32, #tpu.memory_space<hbm>> -> memref<10000xi32, #tpu.memory_space<hbm>>
    %dma_wait3A_8 = tpu.memref_slice %arg5[%mul3A_2] : memref<320000xi32, #tpu.memory_space<hbm>> -> memref<10000xi32, #tpu.memory_space<hbm>>
    tpu.wait_dma2 semaphore(%arg26 : memref<!tpu.dma_semaphore, #tpu.memory_space<semaphore_mem>>) src(%dma_wait3A_8 : memref<10000xi32, #tpu.memory_space<hbm>>) dst(%arg8 : memref<10000xi32, #tpu.memory_space<vmem>>)
    %dma_start3A_9 = arith.constant 0 : i32
    %dma_start3A_10 = tpu.memref_slice %arg7[%dma_start3A_9] : memref<10000xi32, #tpu.memory_space<vmem>> -> memref<80xi32, #tpu.memory_space<vmem>>
    %dma_start3A_11 = arith.constant 0 : i32
    %dma_start3A_12 = arith.constant 0 : i32
    %dma_start3A_13 = tpu.memref_slice %arg2[%dma_start3A_11, %dma_start3A_12] : memref<10000x128xf32, #tpu.memory_space<hbm>> -> memref<10000x128xf32, #tpu.memory_space<hbm>>
    tpu.enqueue_indirect_dma source(%dma_start3A_13 : memref<10000x128xf32, #tpu.memory_space<hbm>>) target(%arg10 : memref<80x128xf32, #tpu.memory_space<vmem>>) offsets(%dma_start3A_10 : memref<80xi32, #tpu.memory_space<vmem>>) semaphore(%arg18 : memref<!tpu.dma_semaphore, #tpu.memory_space<semaphore_mem>>)
    %dma_start3A_14 = arith.constant 0 : i32
    %dma_start3A_15 = tpu.memref_slice %arg8[%dma_start3A_14] : memref<10000xi32, #tpu.memory_space<vmem>> -> memref<80xi32, #tpu.memory_space<vmem>>
    %dma_start3A_16 = arith.constant 0 : i32
    %dma_start3A_17 = arith.constant 0 : i32
    %dma_start3A_18 = tpu.memref_slice %arg3[%dma_start3A_16, %dma_start3A_17] : memref<10000x128xf32, #tpu.memory_space<hbm>> -> memref<10000x128xf32, #tpu.memory_space<hbm>>
    tpu.enqueue_indirect_dma source(%dma_start3A_18 : memref<10000x128xf32, #tpu.memory_space<hbm>>) target(%arg11 : memref<80x128xf32, #tpu.memory_space<vmem>>) offsets(%dma_start3A_15 : memref<80xi32, #tpu.memory_space<vmem>>) semaphore(%arg19 : memref<!tpu.dma_semaphore, #tpu.memory_space<semaphore_mem>>)
    %dma_start3A_19 = arith.constant 80 : i32
    %dma_start3A_20 = tpu.memref_slice %arg7[%dma_start3A_19] : memref<10000xi32, #tpu.memory_space<vmem>> -> memref<80xi32, #tpu.memory_space<vmem>>
    %dma_start3A_21 = arith.constant 0 : i32
    %dma_start3A_22 = arith.constant 0 : i32
    %dma_start3A_23 = tpu.memref_slice %arg2[%dma_start3A_21, %dma_start3A_22] : memref<10000x128xf32, #tpu.memory_space<hbm>> -> memref<10000x128xf32, #tpu.memory_space<hbm>>
    tpu.enqueue_indirect_dma source(%dma_start3A_23 : memref<10000x128xf32, #tpu.memory_space<hbm>>) target(%arg12 : memref<80x128xf32, #tpu.memory_space<vmem>>) offsets(%dma_start3A_20 : memref<80xi32, #tpu.memory_space<vmem>>) semaphore(%arg20 : memref<!tpu.dma_semaphore, #tpu.memory_space<semaphore_mem>>)
    %dma_start3A_24 = arith.constant 80 : i32
    %dma_start3A_25 = tpu.memref_slice %arg8[%dma_start3A_24] : memref<10000xi32, #tpu.memory_space<vmem>> -> memref<80xi32, #tpu.memory_space<vmem>>
    %dma_start3A_26 = arith.constant 0 : i32
    %dma_start3A_27 = arith.constant 0 : i32
    %dma_start3A_28 = tpu.memref_slice %arg3[%dma_start3A_26, %dma_start3A_27] : memref<10000x128xf32, #tpu.memory_space<hbm>> -> memref<10000x128xf32, #tpu.memory_space<hbm>>
    tpu.enqueue_indirect_dma source(%dma_start3A_28 : memref<10000x128xf32, #tpu.memory_space<hbm>>) target(%arg13 : memref<80x128xf32, #tpu.memory_space<vmem>>) offsets(%dma_start3A_25 : memref<80xi32, #tpu.memory_space<vmem>>) semaphore(%arg21 : memref<!tpu.dma_semaphore, #tpu.memory_space<semaphore_mem>>)
    %dma_start3A_29 = arith.constant 160 : i32
    %dma_start3A_30 = tpu.memref_slice %arg7[%dma_start3A_29] : memref<10000xi32, #tpu.memory_space<vmem>> -> memref<80xi32, #tpu.memory_space<vmem>>
    %dma_start3A_31 = arith.constant 0 : i32
    %dma_start3A_32 = arith.constant 0 : i32
    %dma_start3A_33 = tpu.memref_slice %arg2[%dma_start3A_31, %dma_start3A_32] : memref<10000x128xf32, #tpu.memory_space<hbm>> -> memref<10000x128xf32, #tpu.memory_space<hbm>>
    tpu.enqueue_indirect_dma source(%dma_start3A_33 : memref<10000x128xf32, #tpu.memory_space<hbm>>) target(%arg14 : memref<80x128xf32, #tpu.memory_space<vmem>>) offsets(%dma_start3A_30 : memref<80xi32, #tpu.memory_space<vmem>>) semaphore(%arg22 : memref<!tpu.dma_semaphore, #tpu.memory_space<semaphore_mem>>)
    %dma_start3A_34 = arith.constant 160 : i32
    %dma_start3A_35 = tpu.memref_slice %arg8[%dma_start3A_34] : memref<10000xi32, #tpu.memory_space<vmem>> -> memref<80xi32, #tpu.memory_space<vmem>>
    %dma_start3A_36 = arith.constant 0 : i32
    %dma_start3A_37 = arith.constant 0 : i32
    %dma_start3A_38 = tpu.memref_slice %arg3[%dma_start3A_36, %dma_start3A_37] : memref<10000x128xf32, #tpu.memory_space<hbm>> -> memref<10000x128xf32, #tpu.memory_space<hbm>>
    tpu.enqueue_indirect_dma source(%dma_start3A_38 : memref<10000x128xf32, #tpu.memory_space<hbm>>) target(%arg15 : memref<80x128xf32, #tpu.memory_space<vmem>>) offsets(%dma_start3A_35 : memref<80xi32, #tpu.memory_space<vmem>>) semaphore(%arg23 : memref<!tpu.dma_semaphore, #tpu.memory_space<semaphore_mem>>)
    %dma_start3A_39 = arith.constant 240 : i32
    %dma_start3A_40 = tpu.memref_slice %arg7[%dma_start3A_39] : memref<10000xi32, #tpu.memory_space<vmem>> -> memref<80xi32, #tpu.memory_space<vmem>>
    %dma_start3A_41 = arith.constant 0 : i32
    %dma_start3A_42 = arith.constant 0 : i32
    %dma_start3A_43 = tpu.memref_slice %arg2[%dma_start3A_41, %dma_start3A_42] : memref<10000x128xf32, #tpu.memory_space<hbm>> -> memref<10000x128xf32, #tpu.memory_space<hbm>>
    tpu.enqueue_indirect_dma source(%dma_start3A_43 : memref<10000x128xf32, #tpu.memory_space<hbm>>) target(%arg16 : memref<80x128xf32, #tpu.memory_space<vmem>>) offsets(%dma_start3A_40 : memref<80xi32, #tpu.memory_space<vmem>>) semaphore(%arg24 : memref<!tpu.dma_semaphore, #tpu.memory_space<semaphore_mem>>)
    %dma_start3A_44 = arith.constant 240 : i32
    %dma_start3A_45 = tpu.memref_slice %arg8[%dma_start3A_44] : memref<10000xi32, #tpu.memory_space<vmem>> -> memref<80xi32, #tpu.memory_space<vmem>>
    %dma_start3A_46 = arith.constant 0 : i32
    %dma_start3A_47 = arith.constant 0 : i32
    %dma_start3A_48 = tpu.memref_slice %arg3[%dma_start3A_46, %dma_start3A_47] : memref<10000x128xf32, #tpu.memory_space<hbm>> -> memref<10000x128xf32, #tpu.memory_space<hbm>>
    tpu.enqueue_indirect_dma source(%dma_start3A_48 : memref<10000x128xf32, #tpu.memory_space<hbm>>) target(%arg17 : memref<80x128xf32, #tpu.memory_space<vmem>>) offsets(%dma_start3A_45 : memref<80xi32, #tpu.memory_space<vmem>>) semaphore(%arg25 : memref<!tpu.dma_semaphore, #tpu.memory_space<semaphore_mem>>)
    %scan3A = arith.constant 0 : i32
    %scan3A_49 = arith.constant 0 : i32
    %scan3A_50 = arith.constant 31 : i32
    %scan3A_51 = arith.addi %scan3A_49, %scan3A_50 : i32
    %scan3A_52 = arith.constant 1 : i32
    %scan3A_53 = scf.for %scan3A_72 = %scan3A_49 to %scan3A_51 step %scan3A_52 iter_args(%scan3A_73 = %scan3A) -> (i32)  : i32 {
      %mul3A_74 = arith.constant 4 : i32
      %mul3A_75 = arith.muli %scan3A_72, %mul3A_74 : i32
      %add3A_76 = arith.constant 0 : i32
      %add3A_77 = arith.addi %mul3A_75, %add3A_76 : i32
      %mul3A_78 = arith.constant 80 : i32
      %mul3A_79 = arith.muli %add3A_77, %mul3A_78 : i32
      %dma_wait3A_80 = tpu.memref_slice %arg7[%mul3A_79] : memref<10000xi32, #tpu.memory_space<vmem>> -> memref<80xi32, #tpu.memory_space<vmem>>
      %dma_wait3A_81 = arith.constant 0 : i32
      %dma_wait3A_82 = arith.constant 0 : i32
      %dma_wait3A_83 = tpu.memref_slice %arg2[%dma_wait3A_81, %dma_wait3A_82] : memref<10000x128xf32, #tpu.memory_space<hbm>> -> memref<10000x128xf32, #tpu.memory_space<hbm>>
      tpu.wait_indirect_dma semaphore(%arg18 : memref<!tpu.dma_semaphore, #tpu.memory_space<semaphore_mem>>) src(%dma_wait3A_83 : memref<10000x128xf32, #tpu.memory_space<hbm>>) dst(%arg10 : memref<80x128xf32, #tpu.memory_space<vmem>>)
      %mul3A_84 = arith.constant 80 : i32
      %mul3A_85 = arith.muli %add3A_77, %mul3A_84 : i32
      %dma_wait3A_86 = tpu.memref_slice %arg8[%mul3A_85] : memref<10000xi32, #tpu.memory_space<vmem>> -> memref<80xi32, #tpu.memory_space<vmem>>
      %dma_wait3A_87 = arith.constant 0 : i32
      %dma_wait3A_88 = arith.constant 0 : i32
      %dma_wait3A_89 = tpu.memref_slice %arg3[%dma_wait3A_87, %dma_wait3A_88] : memref<10000x128xf32, #tpu.memory_space<hbm>> -> memref<10000x128xf32, #tpu.memory_space<hbm>>
      tpu.wait_indirect_dma semaphore(%arg19 : memref<!tpu.dma_semaphore, #tpu.memory_space<semaphore_mem>>) src(%dma_wait3A_89 : memref<10000x128xf32, #tpu.memory_space<hbm>>) dst(%arg11 : memref<80x128xf32, #tpu.memory_space<vmem>>)
      %scan3A_90 = arith.constant 0 : i32
      %scan3A_91 = arith.constant 0 : i32
      %scan3A_92 = arith.constant 5 : i32
      %scan3A_93 = arith.addi %scan3A_91, %scan3A_92 : i32
      %scan3A_94 = arith.constant 1 : i32
      %scan3A_95 = scf.for %scan3A_186 = %scan3A_91 to %scan3A_93 step %scan3A_94 iter_args(%scan3A_187 = %scan3A_90) -> (i32)  : i32 {
        %mul3A_188 = arith.constant 16 : i32
        %mul3A_189 = arith.muli %scan3A_186, %mul3A_188 : i32
        %iota3A = tpu.iota {dimensions = array<i32: 0>} : vector<16xi32>
        %add3A_190 = vector.broadcast %mul3A_189 : i32 to vector<16xi32>
        %add3A_191 = arith.addi %add3A_190, %iota3A : vector<16xi32>
        %broadcast_in_dim3A = arith.constant 0.000000e+00 : f32
        %broadcast_in_dim3A_192 = vector.broadcast %broadcast_in_dim3A : f32 to vector<16xf32>
        %iota3A_193 = tpu.iota {dimensions = array<i32: 0>} : vector<16xi32>
        %scan3A_194 = arith.constant 0 : i32
        %scan3A_195 = arith.constant 16 : i32
        %scan3A_196 = arith.addi %scan3A_194, %scan3A_195 : i32
        %scan3A_197 = arith.constant 1 : i32
        %scan3A_198:2 = scf.for %scan3A_214 = %scan3A_194 to %scan3A_196 step %scan3A_197 iter_args(%scan3A_215 = %broadcast_in_dim3A_192, %scan3A_216 = %iota3A_193) -> (vector<16xf32>, vector<16xi32>)  : i32 {
          %gather3A = tpu.vector_load_idx %arg10[%add3A_191, %scan3A_216] : memref<80x128xf32, #tpu.memory_space<vmem>>[vector<16xi32>, vector<16xi32>], vector<16xf32>,
          %gather3A_217 = tpu.vector_load_idx %arg11[%add3A_191, %scan3A_216] : memref<80x128xf32, #tpu.memory_space<vmem>>[vector<16xi32>, vector<16xi32>], vector<16xf32>,
          %mul3A_218 = arith.mulf %gather3A, %gather3A_217 : vector<16xf32>
          %add3A_219 = arith.addf %scan3A_215, %mul3A_218 : vector<16xf32>
          %add3A_220 = arith.constant 1 : i32
          %add3A_221 = vector.broadcast %add3A_220 : i32 to vector<16xi32>
          %add3A_222 = arith.addi %scan3A_216, %add3A_221 : vector<16xi32>
          %and3A = arith.constant 127 : i32
          %and3A_223 = vector.broadcast %and3A : i32 to vector<16xi32>
          %and3A_224 = arith.andi %add3A_222, %and3A_223 : vector<16xi32>
          %gather3A_225 = tpu.vector_load_idx %arg10[%add3A_191, %and3A_224] : memref<80x128xf32, #tpu.memory_space<vmem>>[vector<16xi32>, vector<16xi32>], vector<16xf32>,
          %gather3A_226 = tpu.vector_load_idx %arg11[%add3A_191, %and3A_224] : memref<80x128xf32, #tpu.memory_space<vmem>>[vector<16xi32>, vector<16xi32>], vector<16xf32>,
          %mul3A_227 = arith.mulf %gather3A_225, %gather3A_226 : vector<16xf32>
          %add3A_228 = arith.addf %add3A_219, %mul3A_227 : vector<16xf32>
          %add3A_229 = arith.constant 1 : i32
          %add3A_230 = vector.broadcast %add3A_229 : i32 to vector<16xi32>
          %add3A_231 = arith.addi %and3A_224, %add3A_230 : vector<16xi32>
          %and3A_232 = arith.constant 127 : i32
          %and3A_233 = vector.broadcast %and3A_232 : i32 to vector<16xi32>
          %and3A_234 = arith.andi %add3A_231, %and3A_233 : vector<16xi32>
          %gather3A_235 = tpu.vector_load_idx %arg10[%add3A_191, %and3A_234] : memref<80x128xf32, #tpu.memory_space<vmem>>[vector<16xi32>, vector<16xi32>], vector<16xf32>,
          %gather3A_236 = tpu.vector_load_idx %arg11[%add3A_191, %and3A_234] : memref<80x128xf32, #tpu.memory_space<vmem>>[vector<16xi32>, vector<16xi32>], vector<16xf32>,
          %mul3A_237 = arith.mulf %gather3A_235, %gather3A_236 : vector<16xf32>
          %add3A_238 = arith.addf %add3A_228, %mul3A_237 : vector<16xf32>
          %add3A_239 = arith.constant 1 : i32
          %add3A_240 = vector.broadcast %add3A_239 : i32 to vector<16xi32>
          %add3A_241 = arith.addi %and3A_234, %add3A_240 : vector<16xi32>
          %and3A_242 = arith.constant 127 : i32
          %and3A_243 = vector.broadcast %and3A_242 : i32 to vector<16xi32>
          %and3A_244 = arith.andi %add3A_241, %and3A_243 : vector<16xi32>
          %gather3A_245 = tpu.vector_load_idx %arg10[%add3A_191, %and3A_244] : memref<80x128xf32, #tpu.memory_space<vmem>>[vector<16xi32>, vector<16xi32>], vector<16xf32>,
          %gather3A_246 = tpu.vector_load_idx %arg11[%add3A_191, %and3A_244] : memref<80x128xf32, #tpu.memory_space<vmem>>[vector<16xi32>, vector<16xi32>], vector<16xf32>,
          %mul3A_247 = arith.mulf %gather3A_245, %gather3A_246 : vector<16xf32>
          %add3A_248 = arith.addf %add3A_238, %mul3A_247 : vector<16xf32>
          %add3A_249 = arith.constant 1 : i32
          %add3A_250 = vector.broadcast %add3A_249 : i32 to vector<16xi32>
          %add3A_251 = arith.addi %and3A_244, %add3A_250 : vector<16xi32>
          %and3A_252 = arith.constant 127 : i32
          %and3A_253 = vector.broadcast %and3A_252 : i32 to vector<16xi32>
          %and3A_254 = arith.andi %add3A_251, %and3A_253 : vector<16xi32>
          %gather3A_255 = tpu.vector_load_idx %arg10[%add3A_191, %and3A_254] : memref<80x128xf32, #tpu.memory_space<vmem>>[vector<16xi32>, vector<16xi32>], vector<16xf32>,
          %gather3A_256 = tpu.vector_load_idx %arg11[%add3A_191, %and3A_254] : memref<80x128xf32, #tpu.memory_space<vmem>>[vector<16xi32>, vector<16xi32>], vector<16xf32>,
          %mul3A_257 = arith.mulf %gather3A_255, %gather3A_256 : vector<16xf32>
          %add3A_258 = arith.addf %add3A_248, %mul3A_257 : vector<16xf32>
          %add3A_259 = arith.constant 1 : i32
          %add3A_260 = vector.broadcast %add3A_259 : i32 to vector<16xi32>
          %add3A_261 = arith.addi %and3A_254, %add3A_260 : vector<16xi32>
          %and3A_262 = arith.constant 127 : i32
          %and3A_263 = vector.broadcast %and3A_262 : i32 to vector<16xi32>
          %and3A_264 = arith.andi %add3A_261, %and3A_263 : vector<16xi32>
          %gather3A_265 = tpu.vector_load_idx %arg10[%add3A_191, %and3A_264] : memref<80x128xf32, #tpu.memory_space<vmem>>[vector<16xi32>, vector<16xi32>], vector<16xf32>,
          %gather3A_266 = tpu.vector_load_idx %arg11[%add3A_191, %and3A_264] : memref<80x128xf32, #tpu.memory_space<vmem>>[vector<16xi32>, vector<16xi32>], vector<16xf32>,
          %mul3A_267 = arith.mulf %gather3A_265, %gather3A_266 : vector<16xf32>
          %add3A_268 = arith.addf %add3A_258, %mul3A_267 : vector<16xf32>
          %add3A_269 = arith.constant 1 : i32
          %add3A_270 = vector.broadcast %add3A_269 : i32 to vector<16xi32>
          %add3A_271 = arith.addi %and3A_264, %add3A_270 : vector<16xi32>
          %and3A_272 = arith.constant 127 : i32
          %and3A_273 = vector.broadcast %and3A_272 : i32 to vector<16xi32>
          %and3A_274 = arith.andi %add3A_271, %and3A_273 : vector<16xi32>
          %gather3A_275 = tpu.vector_load_idx %arg10[%add3A_191, %and3A_274] : memref<80x128xf32, #tpu.memory_space<vmem>>[vector<16xi32>, vector<16xi32>], vector<16xf32>,
          %gather3A_276 = tpu.vector_load_idx %arg11[%add3A_191, %and3A_274] : memref<80x128xf32, #tpu.memory_space<vmem>>[vector<16xi32>, vector<16xi32>], vector<16xf32>,
          %mul3A_277 = arith.mulf %gather3A_275, %gather3A_276 : vector<16xf32>
          %add3A_278 = arith.addf %add3A_268, %mul3A_277 : vector<16xf32>
          %add3A_279 = arith.constant 1 : i32
          %add3A_280 = vector.broadcast %add3A_279 : i32 to vector<16xi32>
          %add3A_281 = arith.addi %and3A_274, %add3A_280 : vector<16xi32>
          %and3A_282 = arith.constant 127 : i32
          %and3A_283 = vector.broadcast %and3A_282 : i32 to vector<16xi32>
          %and3A_284 = arith.andi %add3A_281, %and3A_283 : vector<16xi32>
          %gather3A_285 = tpu.vector_load_idx %arg10[%add3A_191, %and3A_284] : memref<80x128xf32, #tpu.memory_space<vmem>>[vector<16xi32>, vector<16xi32>], vector<16xf32>,
          %gather3A_286 = tpu.vector_load_idx %arg11[%add3A_191, %and3A_284] : memref<80x128xf32, #tpu.memory_space<vmem>>[vector<16xi32>, vector<16xi32>], vector<16xf32>,
          %mul3A_287 = arith.mulf %gather3A_285, %gather3A_286 : vector<16xf32>
          %add3A_288 = arith.addf %add3A_278, %mul3A_287 : vector<16xf32>
          %add3A_289 = arith.constant 1 : i32
          %add3A_290 = vector.broadcast %add3A_289 : i32 to vector<16xi32>
          %add3A_291 = arith.addi %and3A_284, %add3A_290 : vector<16xi32>
          %and3A_292 = arith.constant 127 : i32
          %and3A_293 = vector.broadcast %and3A_292 : i32 to vector<16xi32>
          %and3A_294 = arith.andi %add3A_291, %and3A_293 : vector<16xi32>
          scf.yield %add3A_288, %and3A_294 : vector<16xf32>, vector<16xi32>
        }
        %scan3A_199 = arith.constant 16 : i32
        %neg3A = arith.constant 0.000000e+00 : f32
        %neg3A_200 = vector.broadcast %neg3A : f32 to vector<16xf32>
        %neg3A_201 = arith.subf %neg3A_200, %scan3A_198#0 : vector<16xf32>
        %exp3A = math.exp %neg3A_201 : vector<16xf32>
        %add3A_202 = arith.constant 1.000000e+00 : f32
        %add3A_203 = vector.broadcast %add3A_202 : f32 to vector<16xf32>
        %add3A_204 = arith.addf %add3A_203, %exp3A : vector<16xf32>
        %div3A = arith.constant 1.000000e+00 : f32
        %div3A_205 = vector.broadcast %div3A : f32 to vector<16xf32>
        %div3A_206 = arith.divf %div3A_205, %add3A_204 : vector<16xf32>
        %mul3A_207 = arith.constant 80 : i32
        %mul3A_208 = arith.muli %add3A_77, %mul3A_207 : i32
        %mul3A_209 = arith.constant 16 : i32
        %mul3A_210 = arith.muli %scan3A_186, %mul3A_209 : i32
        %add3A_211 = arith.addi %mul3A_208, %mul3A_210 : i32
        %swap3A = arith.index_cast %add3A_211 : i32 to index
        %swap3A_212 = tpu.vector_load %arg9[%swap3A] {strides = array<i32>} : memref<10000xf32, #tpu.memory_space<vmem>>, vector<16xf32>,
        tpu.vector_store %arg9[%swap3A], %div3A_206 {strides = array<i32>} : memref<10000xf32, #tpu.memory_space<vmem>>, vector<16xf32>,
        %scan3A_213 = arith.constant 0 : i32
        scf.yield %scan3A_213 : i32
      }
      %scan3A_96 = arith.constant 5 : i32
      %add3A_97 = arith.constant 4 : i32
      %add3A_98 = arith.addi %add3A_77, %add3A_97 : i32
      %lt3A = arith.constant 125 : i32
      %lt3A_99 = arith.cmpi slt, %add3A_98, %lt3A : i32
      %convert_element_type3A = arith.extui %lt3A_99 : i1 to i32
      %cond3A = arith.constant 0 : i32
      %cond3A_100 = arith.cmpi ne, %convert_element_type3A, %cond3A : i32
      scf.if %cond3A_100 {
        %add3A_186 = arith.constant 4 : i32
        %add3A_187 = arith.addi %add3A_77, %add3A_186 : i32
        %mul3A_188 = arith.constant 80 : i32
        %mul3A_189 = arith.muli %add3A_187, %mul3A_188 : i32
        %dma_start3A_190 = tpu.memref_slice %arg7[%mul3A_189] : memref<10000xi32, #tpu.memory_space<vmem>> -> memref<80xi32, #tpu.memory_space<vmem>>
        %dma_start3A_191 = arith.constant 0 : i32
        %dma_start3A_192 = arith.constant 0 : i32
        %dma_start3A_193 = tpu.memref_slice %arg2[%dma_start3A_191, %dma_start3A_192] : memref<10000x128xf32, #tpu.memory_space<hbm>> -> memref<10000x128xf32, #tpu.memory_space<hbm>>
        tpu.enqueue_indirect_dma source(%dma_start3A_193 : memref<10000x128xf32, #tpu.memory_space<hbm>>) target(%arg10 : memref<80x128xf32, #tpu.memory_space<vmem>>) offsets(%dma_start3A_190 : memref<80xi32, #tpu.memory_space<vmem>>) semaphore(%arg18 : memref<!tpu.dma_semaphore, #tpu.memory_space<semaphore_mem>>)
        %mul3A_194 = arith.constant 80 : i32
        %mul3A_195 = arith.muli %add3A_187, %mul3A_194 : i32
        %dma_start3A_196 = tpu.memref_slice %arg8[%mul3A_195] : memref<10000xi32, #tpu.memory_space<vmem>> -> memref<80xi32, #tpu.memory_space<vmem>>
        %dma_start3A_197 = arith.constant 0 : i32
        %dma_start3A_198 = arith.constant 0 : i32
        %dma_start3A_199 = tpu.memref_slice %arg3[%dma_start3A_197, %dma_start3A_198] : memref<10000x128xf32, #tpu.memory_space<hbm>> -> memref<10000x128xf32, #tpu.memory_space<hbm>>
        tpu.enqueue_indirect_dma source(%dma_start3A_199 : memref<10000x128xf32, #tpu.memory_space<hbm>>) target(%arg11 : memref<80x128xf32, #tpu.memory_space<vmem>>) offsets(%dma_start3A_196 : memref<80xi32, #tpu.memory_space<vmem>>) semaphore(%arg19 : memref<!tpu.dma_semaphore, #tpu.memory_space<semaphore_mem>>)
      } else {
      }
      %add3A_101 = arith.constant 1 : i32
      %add3A_102 = arith.addi %mul3A_75, %add3A_101 : i32
      %mul3A_103 = arith.constant 80 : i32
      %mul3A_104 = arith.muli %add3A_102, %mul3A_103 : i32
      %dma_wait3A_105 = tpu.memref_slice %arg7[%mul3A_104] : memref<10000xi32, #tpu.memory_space<vmem>> -> memref<80xi32, #tpu.memory_space<vmem>>
      %dma_wait3A_106 = arith.constant 0 : i32
      %dma_wait3A_107 = arith.constant 0 : i32
      %dma_wait3A_108 = tpu.memref_slice %arg2[%dma_wait3A_106, %dma_wait3A_107] : memref<10000x128xf32, #tpu.memory_space<hbm>> -> memref<10000x128xf32, #tpu.memory_space<hbm>>
      tpu.wait_indirect_dma semaphore(%arg20 : memref<!tpu.dma_semaphore, #tpu.memory_space<semaphore_mem>>) src(%dma_wait3A_108 : memref<10000x128xf32, #tpu.memory_space<hbm>>) dst(%arg12 : memref<80x128xf32, #tpu.memory_space<vmem>>)
      %mul3A_109 = arith.constant 80 : i32
      %mul3A_110 = arith.muli %add3A_102, %mul3A_109 : i32
      %dma_wait3A_111 = tpu.memref_slice %arg8[%mul3A_110] : memref<10000xi32, #tpu.memory_space<vmem>> -> memref<80xi32, #tpu.memory_space<vmem>>
      %dma_wait3A_112 = arith.constant 0 : i32
      %dma_wait3A_113 = arith.constant 0 : i32
      %dma_wait3A_114 = tpu.memref_slice %arg3[%dma_wait3A_112, %dma_wait3A_113] : memref<10000x128xf32, #tpu.memory_space<hbm>> -> memref<10000x128xf32, #tpu.memory_space<hbm>>
      tpu.wait_indirect_dma semaphore(%arg21 : memref<!tpu.dma_semaphore, #tpu.memory_space<semaphore_mem>>) src(%dma_wait3A_114 : memref<10000x128xf32, #tpu.memory_space<hbm>>) dst(%arg13 : memref<80x128xf32, #tpu.memory_space<vmem>>)
      %scan3A_115 = arith.constant 0 : i32
      %scan3A_116 = arith.constant 0 : i32
      %scan3A_117 = arith.constant 5 : i32
      %scan3A_118 = arith.addi %scan3A_116, %scan3A_117 : i32
      %scan3A_119 = arith.constant 1 : i32
      %scan3A_120 = scf.for %scan3A_186 = %scan3A_116 to %scan3A_118 step %scan3A_119 iter_args(%scan3A_187 = %scan3A_115) -> (i32)  : i32 {
        %mul3A_188 = arith.constant 16 : i32
        %mul3A_189 = arith.muli %scan3A_186, %mul3A_188 : i32
        %iota3A = tpu.iota {dimensions = array<i32: 0>} : vector<16xi32>
        %add3A_190 = vector.broadcast %mul3A_189 : i32 to vector<16xi32>
        %add3A_191 = arith.addi %add3A_190, %iota3A : vector<16xi32>
        %broadcast_in_dim3A = arith.constant 0.000000e+00 : f32
        %broadcast_in_dim3A_192 = vector.broadcast %broadcast_in_dim3A : f32 to vector<16xf32>
        %iota3A_193 = tpu.iota {dimensions = array<i32: 0>} : vector<16xi32>
        %scan3A_194 = arith.constant 0 : i32
        %scan3A_195 = arith.constant 16 : i32
        %scan3A_196 = arith.addi %scan3A_194, %scan3A_195 : i32
        %scan3A_197 = arith.constant 1 : i32
        %scan3A_198:2 = scf.for %scan3A_214 = %scan3A_194 to %scan3A_196 step %scan3A_197 iter_args(%scan3A_215 = %broadcast_in_dim3A_192, %scan3A_216 = %iota3A_193) -> (vector<16xf32>, vector<16xi32>)  : i32 {
          %gather3A = tpu.vector_load_idx %arg12[%add3A_191, %scan3A_216] : memref<80x128xf32, #tpu.memory_space<vmem>>[vector<16xi32>, vector<16xi32>], vector<16xf32>,
          %gather3A_217 = tpu.vector_load_idx %arg13[%add3A_191, %scan3A_216] : memref<80x128xf32, #tpu.memory_space<vmem>>[vector<16xi32>, vector<16xi32>], vector<16xf32>,
          %mul3A_218 = arith.mulf %gather3A, %gather3A_217 : vector<16xf32>
          %add3A_219 = arith.addf %scan3A_215, %mul3A_218 : vector<16xf32>
          %add3A_220 = arith.constant 1 : i32
          %add3A_221 = vector.broadcast %add3A_220 : i32 to vector<16xi32>
          %add3A_222 = arith.addi %scan3A_216, %add3A_221 : vector<16xi32>
          %and3A = arith.constant 127 : i32
          %and3A_223 = vector.broadcast %and3A : i32 to vector<16xi32>
          %and3A_224 = arith.andi %add3A_222, %and3A_223 : vector<16xi32>
          %gather3A_225 = tpu.vector_load_idx %arg12[%add3A_191, %and3A_224] : memref<80x128xf32, #tpu.memory_space<vmem>>[vector<16xi32>, vector<16xi32>], vector<16xf32>,
          %gather3A_226 = tpu.vector_load_idx %arg13[%add3A_191, %and3A_224] : memref<80x128xf32, #tpu.memory_space<vmem>>[vector<16xi32>, vector<16xi32>], vector<16xf32>,
          %mul3A_227 = arith.mulf %gather3A_225, %gather3A_226 : vector<16xf32>
          %add3A_228 = arith.addf %add3A_219, %mul3A_227 : vector<16xf32>
          %add3A_229 = arith.constant 1 : i32
          %add3A_230 = vector.broadcast %add3A_229 : i32 to vector<16xi32>
          %add3A_231 = arith.addi %and3A_224, %add3A_230 : vector<16xi32>
          %and3A_232 = arith.constant 127 : i32
          %and3A_233 = vector.broadcast %and3A_232 : i32 to vector<16xi32>
          %and3A_234 = arith.andi %add3A_231, %and3A_233 : vector<16xi32>
          %gather3A_235 = tpu.vector_load_idx %arg12[%add3A_191, %and3A_234] : memref<80x128xf32, #tpu.memory_space<vmem>>[vector<16xi32>, vector<16xi32>], vector<16xf32>,
          %gather3A_236 = tpu.vector_load_idx %arg13[%add3A_191, %and3A_234] : memref<80x128xf32, #tpu.memory_space<vmem>>[vector<16xi32>, vector<16xi32>], vector<16xf32>,
          %mul3A_237 = arith.mulf %gather3A_235, %gather3A_236 : vector<16xf32>
          %add3A_238 = arith.addf %add3A_228, %mul3A_237 : vector<16xf32>
          %add3A_239 = arith.constant 1 : i32
          %add3A_240 = vector.broadcast %add3A_239 : i32 to vector<16xi32>
          %add3A_241 = arith.addi %and3A_234, %add3A_240 : vector<16xi32>
          %and3A_242 = arith.constant 127 : i32
          %and3A_243 = vector.broadcast %and3A_242 : i32 to vector<16xi32>
          %and3A_244 = arith.andi %add3A_241, %and3A_243 : vector<16xi32>
          %gather3A_245 = tpu.vector_load_idx %arg12[%add3A_191, %and3A_244] : memref<80x128xf32, #tpu.memory_space<vmem>>[vector<16xi32>, vector<16xi32>], vector<16xf32>,
          %gather3A_246 = tpu.vector_load_idx %arg13[%add3A_191, %and3A_244] : memref<80x128xf32, #tpu.memory_space<vmem>>[vector<16xi32>, vector<16xi32>], vector<16xf32>,
          %mul3A_247 = arith.mulf %gather3A_245, %gather3A_246 : vector<16xf32>
          %add3A_248 = arith.addf %add3A_238, %mul3A_247 : vector<16xf32>
          %add3A_249 = arith.constant 1 : i32
          %add3A_250 = vector.broadcast %add3A_249 : i32 to vector<16xi32>
          %add3A_251 = arith.addi %and3A_244, %add3A_250 : vector<16xi32>
          %and3A_252 = arith.constant 127 : i32
          %and3A_253 = vector.broadcast %and3A_252 : i32 to vector<16xi32>
          %and3A_254 = arith.andi %add3A_251, %and3A_253 : vector<16xi32>
          %gather3A_255 = tpu.vector_load_idx %arg12[%add3A_191, %and3A_254] : memref<80x128xf32, #tpu.memory_space<vmem>>[vector<16xi32>, vector<16xi32>], vector<16xf32>,
          %gather3A_256 = tpu.vector_load_idx %arg13[%add3A_191, %and3A_254] : memref<80x128xf32, #tpu.memory_space<vmem>>[vector<16xi32>, vector<16xi32>], vector<16xf32>,
          %mul3A_257 = arith.mulf %gather3A_255, %gather3A_256 : vector<16xf32>
          %add3A_258 = arith.addf %add3A_248, %mul3A_257 : vector<16xf32>
          %add3A_259 = arith.constant 1 : i32
          %add3A_260 = vector.broadcast %add3A_259 : i32 to vector<16xi32>
          %add3A_261 = arith.addi %and3A_254, %add3A_260 : vector<16xi32>
          %and3A_262 = arith.constant 127 : i32
          %and3A_263 = vector.broadcast %and3A_262 : i32 to vector<16xi32>
          %and3A_264 = arith.andi %add3A_261, %and3A_263 : vector<16xi32>
          %gather3A_265 = tpu.vector_load_idx %arg12[%add3A_191, %and3A_264] : memref<80x128xf32, #tpu.memory_space<vmem>>[vector<16xi32>, vector<16xi32>], vector<16xf32>,
          %gather3A_266 = tpu.vector_load_idx %arg13[%add3A_191, %and3A_264] : memref<80x128xf32, #tpu.memory_space<vmem>>[vector<16xi32>, vector<16xi32>], vector<16xf32>,
          %mul3A_267 = arith.mulf %gather3A_265, %gather3A_266 : vector<16xf32>
          %add3A_268 = arith.addf %add3A_258, %mul3A_267 : vector<16xf32>
          %add3A_269 = arith.constant 1 : i32
          %add3A_270 = vector.broadcast %add3A_269 : i32 to vector<16xi32>
          %add3A_271 = arith.addi %and3A_264, %add3A_270 : vector<16xi32>
          %and3A_272 = arith.constant 127 : i32
          %and3A_273 = vector.broadcast %and3A_272 : i32 to vector<16xi32>
          %and3A_274 = arith.andi %add3A_271, %and3A_273 : vector<16xi32>
          %gather3A_275 = tpu.vector_load_idx %arg12[%add3A_191, %and3A_274] : memref<80x128xf32, #tpu.memory_space<vmem>>[vector<16xi32>, vector<16xi32>], vector<16xf32>,
          %gather3A_276 = tpu.vector_load_idx %arg13[%add3A_191, %and3A_274] : memref<80x128xf32, #tpu.memory_space<vmem>>[vector<16xi32>, vector<16xi32>], vector<16xf32>,
          %mul3A_277 = arith.mulf %gather3A_275, %gather3A_276 : vector<16xf32>
          %add3A_278 = arith.addf %add3A_268, %mul3A_277 : vector<16xf32>
          %add3A_279 = arith.constant 1 : i32
          %add3A_280 = vector.broadcast %add3A_279 : i32 to vector<16xi32>
          %add3A_281 = arith.addi %and3A_274, %add3A_280 : vector<16xi32>
          %and3A_282 = arith.constant 127 : i32
          %and3A_283 = vector.broadcast %and3A_282 : i32 to vector<16xi32>
          %and3A_284 = arith.andi %add3A_281, %and3A_283 : vector<16xi32>
          %gather3A_285 = tpu.vector_load_idx %arg12[%add3A_191, %and3A_284] : memref<80x128xf32, #tpu.memory_space<vmem>>[vector<16xi32>, vector<16xi32>], vector<16xf32>,
          %gather3A_286 = tpu.vector_load_idx %arg13[%add3A_191, %and3A_284] : memref<80x128xf32, #tpu.memory_space<vmem>>[vector<16xi32>, vector<16xi32>], vector<16xf32>,
          %mul3A_287 = arith.mulf %gather3A_285, %gather3A_286 : vector<16xf32>
          %add3A_288 = arith.addf %add3A_278, %mul3A_287 : vector<16xf32>
          %add3A_289 = arith.constant 1 : i32
          %add3A_290 = vector.broadcast %add3A_289 : i32 to vector<16xi32>
          %add3A_291 = arith.addi %and3A_284, %add3A_290 : vector<16xi32>
          %and3A_292 = arith.constant 127 : i32
          %and3A_293 = vector.broadcast %and3A_292 : i32 to vector<16xi32>
          %and3A_294 = arith.andi %add3A_291, %and3A_293 : vector<16xi32>
          scf.yield %add3A_288, %and3A_294 : vector<16xf32>, vector<16xi32>
        }
        %scan3A_199 = arith.constant 16 : i32
        %neg3A = arith.constant 0.000000e+00 : f32
        %neg3A_200 = vector.broadcast %neg3A : f32 to vector<16xf32>
        %neg3A_201 = arith.subf %neg3A_200, %scan3A_198#0 : vector<16xf32>
        %exp3A = math.exp %neg3A_201 : vector<16xf32>
        %add3A_202 = arith.constant 1.000000e+00 : f32
        %add3A_203 = vector.broadcast %add3A_202 : f32 to vector<16xf32>
        %add3A_204 = arith.addf %add3A_203, %exp3A : vector<16xf32>
        %div3A = arith.constant 1.000000e+00 : f32
        %div3A_205 = vector.broadcast %div3A : f32 to vector<16xf32>
        %div3A_206 = arith.divf %div3A_205, %add3A_204 : vector<16xf32>
        %mul3A_207 = arith.constant 80 : i32
        %mul3A_208 = arith.muli %add3A_102, %mul3A_207 : i32
        %mul3A_209 = arith.constant 16 : i32
        %mul3A_210 = arith.muli %scan3A_186, %mul3A_209 : i32
        %add3A_211 = arith.addi %mul3A_208, %mul3A_210 : i32
        %swap3A = arith.index_cast %add3A_211 : i32 to index
        %swap3A_212 = tpu.vector_load %arg9[%swap3A] {strides = array<i32>} : memref<10000xf32, #tpu.memory_space<vmem>>, vector<16xf32>,
        tpu.vector_store %arg9[%swap3A], %div3A_206 {strides = array<i32>} : memref<10000xf32, #tpu.memory_space<vmem>>, vector<16xf32>,
        %scan3A_213 = arith.constant 0 : i32
        scf.yield %scan3A_213 : i32
      }
      %scan3A_121 = arith.constant 5 : i32
      %add3A_122 = arith.constant 4 : i32
      %add3A_123 = arith.addi %add3A_102, %add3A_122 : i32
      %lt3A_124 = arith.constant 125 : i32
      %lt3A_125 = arith.cmpi slt, %add3A_123, %lt3A_124 : i32
      %convert_element_type3A_126 = arith.extui %lt3A_125 : i1 to i32
      %cond3A_127 = arith.constant 0 : i32
      %cond3A_128 = arith.cmpi ne, %convert_element_type3A_126, %cond3A_127 : i32
      scf.if %cond3A_128 {
        %add3A_186 = arith.constant 4 : i32
        %add3A_187 = arith.addi %add3A_102, %add3A_186 : i32
        %mul3A_188 = arith.constant 80 : i32
        %mul3A_189 = arith.muli %add3A_187, %mul3A_188 : i32
        %dma_start3A_190 = tpu.memref_slice %arg7[%mul3A_189] : memref<10000xi32, #tpu.memory_space<vmem>> -> memref<80xi32, #tpu.memory_space<vmem>>
        %dma_start3A_191 = arith.constant 0 : i32
        %dma_start3A_192 = arith.constant 0 : i32
        %dma_start3A_193 = tpu.memref_slice %arg2[%dma_start3A_191, %dma_start3A_192] : memref<10000x128xf32, #tpu.memory_space<hbm>> -> memref<10000x128xf32, #tpu.memory_space<hbm>>
        tpu.enqueue_indirect_dma source(%dma_start3A_193 : memref<10000x128xf32, #tpu.memory_space<hbm>>) target(%arg12 : memref<80x128xf32, #tpu.memory_space<vmem>>) offsets(%dma_start3A_190 : memref<80xi32, #tpu.memory_space<vmem>>) semaphore(%arg20 : memref<!tpu.dma_semaphore, #tpu.memory_space<semaphore_mem>>)
        %mul3A_194 = arith.constant 80 : i32
        %mul3A_195 = arith.muli %add3A_187, %mul3A_194 : i32
        %dma_start3A_196 = tpu.memref_slice %arg8[%mul3A_195] : memref<10000xi32, #tpu.memory_space<vmem>> -> memref<80xi32, #tpu.memory_space<vmem>>
        %dma_start3A_197 = arith.constant 0 : i32
        %dma_start3A_198 = arith.constant 0 : i32
        %dma_start3A_199 = tpu.memref_slice %arg3[%dma_start3A_197, %dma_start3A_198] : memref<10000x128xf32, #tpu.memory_space<hbm>> -> memref<10000x128xf32, #tpu.memory_space<hbm>>
        tpu.enqueue_indirect_dma source(%dma_start3A_199 : memref<10000x128xf32, #tpu.memory_space<hbm>>) target(%arg13 : memref<80x128xf32, #tpu.memory_space<vmem>>) offsets(%dma_start3A_196 : memref<80xi32, #tpu.memory_space<vmem>>) semaphore(%arg21 : memref<!tpu.dma_semaphore, #tpu.memory_space<semaphore_mem>>)
      } else {
      }
      %add3A_129 = arith.constant 2 : i32
      %add3A_130 = arith.addi %mul3A_75, %add3A_129 : i32
      %mul3A_131 = arith.constant 80 : i32
      %mul3A_132 = arith.muli %add3A_130, %mul3A_131 : i32
      %dma_wait3A_133 = tpu.memref_slice %arg7[%mul3A_132] : memref<10000xi32, #tpu.memory_space<vmem>> -> memref<80xi32, #tpu.memory_space<vmem>>
      %dma_wait3A_134 = arith.constant 0 : i32
      %dma_wait3A_135 = arith.constant 0 : i32
      %dma_wait3A_136 = tpu.memref_slice %arg2[%dma_wait3A_134, %dma_wait3A_135] : memref<10000x128xf32, #tpu.memory_space<hbm>> -> memref<10000x128xf32, #tpu.memory_space<hbm>>
      tpu.wait_indirect_dma semaphore(%arg22 : memref<!tpu.dma_semaphore, #tpu.memory_space<semaphore_mem>>) src(%dma_wait3A_136 : memref<10000x128xf32, #tpu.memory_space<hbm>>) dst(%arg14 : memref<80x128xf32, #tpu.memory_space<vmem>>)
      %mul3A_137 = arith.constant 80 : i32
      %mul3A_138 = arith.muli %add3A_130, %mul3A_137 : i32
      %dma_wait3A_139 = tpu.memref_slice %arg8[%mul3A_138] : memref<10000xi32, #tpu.memory_space<vmem>> -> memref<80xi32, #tpu.memory_space<vmem>>
      %dma_wait3A_140 = arith.constant 0 : i32
      %dma_wait3A_141 = arith.constant 0 : i32
      %dma_wait3A_142 = tpu.memref_slice %arg3[%dma_wait3A_140, %dma_wait3A_141] : memref<10000x128xf32, #tpu.memory_space<hbm>> -> memref<10000x128xf32, #tpu.memory_space<hbm>>
      tpu.wait_indirect_dma semaphore(%arg23 : memref<!tpu.dma_semaphore, #tpu.memory_space<semaphore_mem>>) src(%dma_wait3A_142 : memref<10000x128xf32, #tpu.memory_space<hbm>>) dst(%arg15 : memref<80x128xf32, #tpu.memory_space<vmem>>)
      %scan3A_143 = arith.constant 0 : i32
      %scan3A_144 = arith.constant 0 : i32
      %scan3A_145 = arith.constant 5 : i32
      %scan3A_146 = arith.addi %scan3A_144, %scan3A_145 : i32
      %scan3A_147 = arith.constant 1 : i32
      %scan3A_148 = scf.for %scan3A_186 = %scan3A_144 to %scan3A_146 step %scan3A_147 iter_args(%scan3A_187 = %scan3A_143) -> (i32)  : i32 {
        %mul3A_188 = arith.constant 16 : i32
        %mul3A_189 = arith.muli %scan3A_186, %mul3A_188 : i32
        %iota3A = tpu.iota {dimensions = array<i32: 0>} : vector<16xi32>
        %add3A_190 = vector.broadcast %mul3A_189 : i32 to vector<16xi32>
        %add3A_191 = arith.addi %add3A_190, %iota3A : vector<16xi32>
        %broadcast_in_dim3A = arith.constant 0.000000e+00 : f32
        %broadcast_in_dim3A_192 = vector.broadcast %broadcast_in_dim3A : f32 to vector<16xf32>
        %iota3A_193 = tpu.iota {dimensions = array<i32: 0>} : vector<16xi32>
        %scan3A_194 = arith.constant 0 : i32
        %scan3A_195 = arith.constant 16 : i32
        %scan3A_196 = arith.addi %scan3A_194, %scan3A_195 : i32
        %scan3A_197 = arith.constant 1 : i32
        %scan3A_198:2 = scf.for %scan3A_214 = %scan3A_194 to %scan3A_196 step %scan3A_197 iter_args(%scan3A_215 = %broadcast_in_dim3A_192, %scan3A_216 = %iota3A_193) -> (vector<16xf32>, vector<16xi32>)  : i32 {
          %gather3A = tpu.vector_load_idx %arg14[%add3A_191, %scan3A_216] : memref<80x128xf32, #tpu.memory_space<vmem>>[vector<16xi32>, vector<16xi32>], vector<16xf32>,
          %gather3A_217 = tpu.vector_load_idx %arg15[%add3A_191, %scan3A_216] : memref<80x128xf32, #tpu.memory_space<vmem>>[vector<16xi32>, vector<16xi32>], vector<16xf32>,
          %mul3A_218 = arith.mulf %gather3A, %gather3A_217 : vector<16xf32>
          %add3A_219 = arith.addf %scan3A_215, %mul3A_218 : vector<16xf32>
          %add3A_220 = arith.constant 1 : i32
          %add3A_221 = vector.broadcast %add3A_220 : i32 to vector<16xi32>
          %add3A_222 = arith.addi %scan3A_216, %add3A_221 : vector<16xi32>
          %and3A = arith.constant 127 : i32
          %and3A_223 = vector.broadcast %and3A : i32 to vector<16xi32>
          %and3A_224 = arith.andi %add3A_222, %and3A_223 : vector<16xi32>
          %gather3A_225 = tpu.vector_load_idx %arg14[%add3A_191, %and3A_224] : memref<80x128xf32, #tpu.memory_space<vmem>>[vector<16xi32>, vector<16xi32>], vector<16xf32>,
          %gather3A_226 = tpu.vector_load_idx %arg15[%add3A_191, %and3A_224] : memref<80x128xf32, #tpu.memory_space<vmem>>[vector<16xi32>, vector<16xi32>], vector<16xf32>,
          %mul3A_227 = arith.mulf %gather3A_225, %gather3A_226 : vector<16xf32>
          %add3A_228 = arith.addf %add3A_219, %mul3A_227 : vector<16xf32>
          %add3A_229 = arith.constant 1 : i32
          %add3A_230 = vector.broadcast %add3A_229 : i32 to vector<16xi32>
          %add3A_231 = arith.addi %and3A_224, %add3A_230 : vector<16xi32>
          %and3A_232 = arith.constant 127 : i32
          %and3A_233 = vector.broadcast %and3A_232 : i32 to vector<16xi32>
          %and3A_234 = arith.andi %add3A_231, %and3A_233 : vector<16xi32>
          %gather3A_235 = tpu.vector_load_idx %arg14[%add3A_191, %and3A_234] : memref<80x128xf32, #tpu.memory_space<vmem>>[vector<16xi32>, vector<16xi32>], vector<16xf32>,
          %gather3A_236 = tpu.vector_load_idx %arg15[%add3A_191, %and3A_234] : memref<80x128xf32, #tpu.memory_space<vmem>>[vector<16xi32>, vector<16xi32>], vector<16xf32>,
          %mul3A_237 = arith.mulf %gather3A_235, %gather3A_236 : vector<16xf32>
          %add3A_238 = arith.addf %add3A_228, %mul3A_237 : vector<16xf32>
          %add3A_239 = arith.constant 1 : i32
          %add3A_240 = vector.broadcast %add3A_239 : i32 to vector<16xi32>
          %add3A_241 = arith.addi %and3A_234, %add3A_240 : vector<16xi32>
          %and3A_242 = arith.constant 127 : i32
          %and3A_243 = vector.broadcast %and3A_242 : i32 to vector<16xi32>
          %and3A_244 = arith.andi %add3A_241, %and3A_243 : vector<16xi32>
          %gather3A_245 = tpu.vector_load_idx %arg14[%add3A_191, %and3A_244] : memref<80x128xf32, #tpu.memory_space<vmem>>[vector<16xi32>, vector<16xi32>], vector<16xf32>,
          %gather3A_246 = tpu.vector_load_idx %arg15[%add3A_191, %and3A_244] : memref<80x128xf32, #tpu.memory_space<vmem>>[vector<16xi32>, vector<16xi32>], vector<16xf32>,
          %mul3A_247 = arith.mulf %gather3A_245, %gather3A_246 : vector<16xf32>
          %add3A_248 = arith.addf %add3A_238, %mul3A_247 : vector<16xf32>
          %add3A_249 = arith.constant 1 : i32
          %add3A_250 = vector.broadcast %add3A_249 : i32 to vector<16xi32>
          %add3A_251 = arith.addi %and3A_244, %add3A_250 : vector<16xi32>
          %and3A_252 = arith.constant 127 : i32
          %and3A_253 = vector.broadcast %and3A_252 : i32 to vector<16xi32>
          %and3A_254 = arith.andi %add3A_251, %and3A_253 : vector<16xi32>
          %gather3A_255 = tpu.vector_load_idx %arg14[%add3A_191, %and3A_254] : memref<80x128xf32, #tpu.memory_space<vmem>>[vector<16xi32>, vector<16xi32>], vector<16xf32>,
          %gather3A_256 = tpu.vector_load_idx %arg15[%add3A_191, %and3A_254] : memref<80x128xf32, #tpu.memory_space<vmem>>[vector<16xi32>, vector<16xi32>], vector<16xf32>,
          %mul3A_257 = arith.mulf %gather3A_255, %gather3A_256 : vector<16xf32>
          %add3A_258 = arith.addf %add3A_248, %mul3A_257 : vector<16xf32>
          %add3A_259 = arith.constant 1 : i32
          %add3A_260 = vector.broadcast %add3A_259 : i32 to vector<16xi32>
          %add3A_261 = arith.addi %and3A_254, %add3A_260 : vector<16xi32>
          %and3A_262 = arith.constant 127 : i32
          %and3A_263 = vector.broadcast %and3A_262 : i32 to vector<16xi32>
          %and3A_264 = arith.andi %add3A_261, %and3A_263 : vector<16xi32>
          %gather3A_265 = tpu.vector_load_idx %arg14[%add3A_191, %and3A_264] : memref<80x128xf32, #tpu.memory_space<vmem>>[vector<16xi32>, vector<16xi32>], vector<16xf32>,
          %gather3A_266 = tpu.vector_load_idx %arg15[%add3A_191, %and3A_264] : memref<80x128xf32, #tpu.memory_space<vmem>>[vector<16xi32>, vector<16xi32>], vector<16xf32>,
          %mul3A_267 = arith.mulf %gather3A_265, %gather3A_266 : vector<16xf32>
          %add3A_268 = arith.addf %add3A_258, %mul3A_267 : vector<16xf32>
          %add3A_269 = arith.constant 1 : i32
          %add3A_270 = vector.broadcast %add3A_269 : i32 to vector<16xi32>
          %add3A_271 = arith.addi %and3A_264, %add3A_270 : vector<16xi32>
          %and3A_272 = arith.constant 127 : i32
          %and3A_273 = vector.broadcast %and3A_272 : i32 to vector<16xi32>
          %and3A_274 = arith.andi %add3A_271, %and3A_273 : vector<16xi32>
          %gather3A_275 = tpu.vector_load_idx %arg14[%add3A_191, %and3A_274] : memref<80x128xf32, #tpu.memory_space<vmem>>[vector<16xi32>, vector<16xi32>], vector<16xf32>,
          %gather3A_276 = tpu.vector_load_idx %arg15[%add3A_191, %and3A_274] : memref<80x128xf32, #tpu.memory_space<vmem>>[vector<16xi32>, vector<16xi32>], vector<16xf32>,
          %mul3A_277 = arith.mulf %gather3A_275, %gather3A_276 : vector<16xf32>
          %add3A_278 = arith.addf %add3A_268, %mul3A_277 : vector<16xf32>
          %add3A_279 = arith.constant 1 : i32
          %add3A_280 = vector.broadcast %add3A_279 : i32 to vector<16xi32>
          %add3A_281 = arith.addi %and3A_274, %add3A_280 : vector<16xi32>
          %and3A_282 = arith.constant 127 : i32
          %and3A_283 = vector.broadcast %and3A_282 : i32 to vector<16xi32>
          %and3A_284 = arith.andi %add3A_281, %and3A_283 : vector<16xi32>
          %gather3A_285 = tpu.vector_load_idx %arg14[%add3A_191, %and3A_284] : memref<80x128xf32, #tpu.memory_space<vmem>>[vector<16xi32>, vector<16xi32>], vector<16xf32>,
          %gather3A_286 = tpu.vector_load_idx %arg15[%add3A_191, %and3A_284] : memref<80x128xf32, #tpu.memory_space<vmem>>[vector<16xi32>, vector<16xi32>], vector<16xf32>,
          %mul3A_287 = arith.mulf %gather3A_285, %gather3A_286 : vector<16xf32>
          %add3A_288 = arith.addf %add3A_278, %mul3A_287 : vector<16xf32>
          %add3A_289 = arith.constant 1 : i32
          %add3A_290 = vector.broadcast %add3A_289 : i32 to vector<16xi32>
          %add3A_291 = arith.addi %and3A_284, %add3A_290 : vector<16xi32>
          %and3A_292 = arith.constant 127 : i32
          %and3A_293 = vector.broadcast %and3A_292 : i32 to vector<16xi32>
          %and3A_294 = arith.andi %add3A_291, %and3A_293 : vector<16xi32>
          scf.yield %add3A_288, %and3A_294 : vector<16xf32>, vector<16xi32>
        }
        %scan3A_199 = arith.constant 16 : i32
        %neg3A = arith.constant 0.000000e+00 : f32
        %neg3A_200 = vector.broadcast %neg3A : f32 to vector<16xf32>
        %neg3A_201 = arith.subf %neg3A_200, %scan3A_198#0 : vector<16xf32>
        %exp3A = math.exp %neg3A_201 : vector<16xf32>
        %add3A_202 = arith.constant 1.000000e+00 : f32
        %add3A_203 = vector.broadcast %add3A_202 : f32 to vector<16xf32>
        %add3A_204 = arith.addf %add3A_203, %exp3A : vector<16xf32>
        %div3A = arith.constant 1.000000e+00 : f32
        %div3A_205 = vector.broadcast %div3A : f32 to vector<16xf32>
        %div3A_206 = arith.divf %div3A_205, %add3A_204 : vector<16xf32>
        %mul3A_207 = arith.constant 80 : i32
        %mul3A_208 = arith.muli %add3A_130, %mul3A_207 : i32
        %mul3A_209 = arith.constant 16 : i32
        %mul3A_210 = arith.muli %scan3A_186, %mul3A_209 : i32
        %add3A_211 = arith.addi %mul3A_208, %mul3A_210 : i32
        %swap3A = arith.index_cast %add3A_211 : i32 to index
        %swap3A_212 = tpu.vector_load %arg9[%swap3A] {strides = array<i32>} : memref<10000xf32, #tpu.memory_space<vmem>>, vector<16xf32>,
        tpu.vector_store %arg9[%swap3A], %div3A_206 {strides = array<i32>} : memref<10000xf32, #tpu.memory_space<vmem>>, vector<16xf32>,
        %scan3A_213 = arith.constant 0 : i32
        scf.yield %scan3A_213 : i32
      }
      %scan3A_149 = arith.constant 5 : i32
      %add3A_150 = arith.constant 4 : i32
      %add3A_151 = arith.addi %add3A_130, %add3A_150 : i32
      %lt3A_152 = arith.constant 125 : i32
      %lt3A_153 = arith.cmpi slt, %add3A_151, %lt3A_152 : i32
      %convert_element_type3A_154 = arith.extui %lt3A_153 : i1 to i32
      %cond3A_155 = arith.constant 0 : i32
      %cond3A_156 = arith.cmpi ne, %convert_element_type3A_154, %cond3A_155 : i32
      scf.if %cond3A_156 {
        %add3A_186 = arith.constant 4 : i32
        %add3A_187 = arith.addi %add3A_130, %add3A_186 : i32
        %mul3A_188 = arith.constant 80 : i32
        %mul3A_189 = arith.muli %add3A_187, %mul3A_188 : i32
        %dma_start3A_190 = tpu.memref_slice %arg7[%mul3A_189] : memref<10000xi32, #tpu.memory_space<vmem>> -> memref<80xi32, #tpu.memory_space<vmem>>
        %dma_start3A_191 = arith.constant 0 : i32
        %dma_start3A_192 = arith.constant 0 : i32
        %dma_start3A_193 = tpu.memref_slice %arg2[%dma_start3A_191, %dma_start3A_192] : memref<10000x128xf32, #tpu.memory_space<hbm>> -> memref<10000x128xf32, #tpu.memory_space<hbm>>
        tpu.enqueue_indirect_dma source(%dma_start3A_193 : memref<10000x128xf32, #tpu.memory_space<hbm>>) target(%arg14 : memref<80x128xf32, #tpu.memory_space<vmem>>) offsets(%dma_start3A_190 : memref<80xi32, #tpu.memory_space<vmem>>) semaphore(%arg22 : memref<!tpu.dma_semaphore, #tpu.memory_space<semaphore_mem>>)
        %mul3A_194 = arith.constant 80 : i32
        %mul3A_195 = arith.muli %add3A_187, %mul3A_194 : i32
        %dma_start3A_196 = tpu.memref_slice %arg8[%mul3A_195] : memref<10000xi32, #tpu.memory_space<vmem>> -> memref<80xi32, #tpu.memory_space<vmem>>
        %dma_start3A_197 = arith.constant 0 : i32
        %dma_start3A_198 = arith.constant 0 : i32
        %dma_start3A_199 = tpu.memref_slice %arg3[%dma_start3A_197, %dma_start3A_198] : memref<10000x128xf32, #tpu.memory_space<hbm>> -> memref<10000x128xf32, #tpu.memory_space<hbm>>
        tpu.enqueue_indirect_dma source(%dma_start3A_199 : memref<10000x128xf32, #tpu.memory_space<hbm>>) target(%arg15 : memref<80x128xf32, #tpu.memory_space<vmem>>) offsets(%dma_start3A_196 : memref<80xi32, #tpu.memory_space<vmem>>) semaphore(%arg23 : memref<!tpu.dma_semaphore, #tpu.memory_space<semaphore_mem>>)
      } else {
      }
      %add3A_157 = arith.constant 3 : i32
      %add3A_158 = arith.addi %mul3A_75, %add3A_157 : i32
      %mul3A_159 = arith.constant 80 : i32
      %mul3A_160 = arith.muli %add3A_158, %mul3A_159 : i32
      %dma_wait3A_161 = tpu.memref_slice %arg7[%mul3A_160] : memref<10000xi32, #tpu.memory_space<vmem>> -> memref<80xi32, #tpu.memory_space<vmem>>
      %dma_wait3A_162 = arith.constant 0 : i32
      %dma_wait3A_163 = arith.constant 0 : i32
      %dma_wait3A_164 = tpu.memref_slice %arg2[%dma_wait3A_162, %dma_wait3A_163] : memref<10000x128xf32, #tpu.memory_space<hbm>> -> memref<10000x128xf32, #tpu.memory_space<hbm>>
      tpu.wait_indirect_dma semaphore(%arg24 : memref<!tpu.dma_semaphore, #tpu.memory_space<semaphore_mem>>) src(%dma_wait3A_164 : memref<10000x128xf32, #tpu.memory_space<hbm>>) dst(%arg16 : memref<80x128xf32, #tpu.memory_space<vmem>>)
      %mul3A_165 = arith.constant 80 : i32
      %mul3A_166 = arith.muli %add3A_158, %mul3A_165 : i32
      %dma_wait3A_167 = tpu.memref_slice %arg8[%mul3A_166] : memref<10000xi32, #tpu.memory_space<vmem>> -> memref<80xi32, #tpu.memory_space<vmem>>
      %dma_wait3A_168 = arith.constant 0 : i32
      %dma_wait3A_169 = arith.constant 0 : i32
      %dma_wait3A_170 = tpu.memref_slice %arg3[%dma_wait3A_168, %dma_wait3A_169] : memref<10000x128xf32, #tpu.memory_space<hbm>> -> memref<10000x128xf32, #tpu.memory_space<hbm>>
      tpu.wait_indirect_dma semaphore(%arg25 : memref<!tpu.dma_semaphore, #tpu.memory_space<semaphore_mem>>) src(%dma_wait3A_170 : memref<10000x128xf32, #tpu.memory_space<hbm>>) dst(%arg17 : memref<80x128xf32, #tpu.memory_space<vmem>>)
      %scan3A_171 = arith.constant 0 : i32
      %scan3A_172 = arith.constant 0 : i32
      %scan3A_173 = arith.constant 5 : i32
      %scan3A_174 = arith.addi %scan3A_172, %scan3A_173 : i32
      %scan3A_175 = arith.constant 1 : i32
      %scan3A_176 = scf.for %scan3A_186 = %scan3A_172 to %scan3A_174 step %scan3A_175 iter_args(%scan3A_187 = %scan3A_171) -> (i32)  : i32 {
        %mul3A_188 = arith.constant 16 : i32
        %mul3A_189 = arith.muli %scan3A_186, %mul3A_188 : i32
        %iota3A = tpu.iota {dimensions = array<i32: 0>} : vector<16xi32>
        %add3A_190 = vector.broadcast %mul3A_189 : i32 to vector<16xi32>
        %add3A_191 = arith.addi %add3A_190, %iota3A : vector<16xi32>
        %broadcast_in_dim3A = arith.constant 0.000000e+00 : f32
        %broadcast_in_dim3A_192 = vector.broadcast %broadcast_in_dim3A : f32 to vector<16xf32>
        %iota3A_193 = tpu.iota {dimensions = array<i32: 0>} : vector<16xi32>
        %scan3A_194 = arith.constant 0 : i32
        %scan3A_195 = arith.constant 16 : i32
        %scan3A_196 = arith.addi %scan3A_194, %scan3A_195 : i32
        %scan3A_197 = arith.constant 1 : i32
        %scan3A_198:2 = scf.for %scan3A_214 = %scan3A_194 to %scan3A_196 step %scan3A_197 iter_args(%scan3A_215 = %broadcast_in_dim3A_192, %scan3A_216 = %iota3A_193) -> (vector<16xf32>, vector<16xi32>)  : i32 {
          %gather3A = tpu.vector_load_idx %arg16[%add3A_191, %scan3A_216] : memref<80x128xf32, #tpu.memory_space<vmem>>[vector<16xi32>, vector<16xi32>], vector<16xf32>,
          %gather3A_217 = tpu.vector_load_idx %arg17[%add3A_191, %scan3A_216] : memref<80x128xf32, #tpu.memory_space<vmem>>[vector<16xi32>, vector<16xi32>], vector<16xf32>,
          %mul3A_218 = arith.mulf %gather3A, %gather3A_217 : vector<16xf32>
          %add3A_219 = arith.addf %scan3A_215, %mul3A_218 : vector<16xf32>
          %add3A_220 = arith.constant 1 : i32
          %add3A_221 = vector.broadcast %add3A_220 : i32 to vector<16xi32>
          %add3A_222 = arith.addi %scan3A_216, %add3A_221 : vector<16xi32>
          %and3A = arith.constant 127 : i32
          %and3A_223 = vector.broadcast %and3A : i32 to vector<16xi32>
          %and3A_224 = arith.andi %add3A_222, %and3A_223 : vector<16xi32>
          %gather3A_225 = tpu.vector_load_idx %arg16[%add3A_191, %and3A_224] : memref<80x128xf32, #tpu.memory_space<vmem>>[vector<16xi32>, vector<16xi32>], vector<16xf32>,
          %gather3A_226 = tpu.vector_load_idx %arg17[%add3A_191, %and3A_224] : memref<80x128xf32, #tpu.memory_space<vmem>>[vector<16xi32>, vector<16xi32>], vector<16xf32>,
          %mul3A_227 = arith.mulf %gather3A_225, %gather3A_226 : vector<16xf32>
          %add3A_228 = arith.addf %add3A_219, %mul3A_227 : vector<16xf32>
          %add3A_229 = arith.constant 1 : i32
          %add3A_230 = vector.broadcast %add3A_229 : i32 to vector<16xi32>
          %add3A_231 = arith.addi %and3A_224, %add3A_230 : vector<16xi32>
          %and3A_232 = arith.constant 127 : i32
          %and3A_233 = vector.broadcast %and3A_232 : i32 to vector<16xi32>
          %and3A_234 = arith.andi %add3A_231, %and3A_233 : vector<16xi32>
          %gather3A_235 = tpu.vector_load_idx %arg16[%add3A_191, %and3A_234] : memref<80x128xf32, #tpu.memory_space<vmem>>[vector<16xi32>, vector<16xi32>], vector<16xf32>,
          %gather3A_236 = tpu.vector_load_idx %arg17[%add3A_191, %and3A_234] : memref<80x128xf32, #tpu.memory_space<vmem>>[vector<16xi32>, vector<16xi32>], vector<16xf32>,
          %mul3A_237 = arith.mulf %gather3A_235, %gather3A_236 : vector<16xf32>
          %add3A_238 = arith.addf %add3A_228, %mul3A_237 : vector<16xf32>
          %add3A_239 = arith.constant 1 : i32
          %add3A_240 = vector.broadcast %add3A_239 : i32 to vector<16xi32>
          %add3A_241 = arith.addi %and3A_234, %add3A_240 : vector<16xi32>
          %and3A_242 = arith.constant 127 : i32
          %and3A_243 = vector.broadcast %and3A_242 : i32 to vector<16xi32>
          %and3A_244 = arith.andi %add3A_241, %and3A_243 : vector<16xi32>
          %gather3A_245 = tpu.vector_load_idx %arg16[%add3A_191, %and3A_244] : memref<80x128xf32, #tpu.memory_space<vmem>>[vector<16xi32>, vector<16xi32>], vector<16xf32>,
          %gather3A_246 = tpu.vector_load_idx %arg17[%add3A_191, %and3A_244] : memref<80x128xf32, #tpu.memory_space<vmem>>[vector<16xi32>, vector<16xi32>], vector<16xf32>,
          %mul3A_247 = arith.mulf %gather3A_245, %gather3A_246 : vector<16xf32>
          %add3A_248 = arith.addf %add3A_238, %mul3A_247 : vector<16xf32>
          %add3A_249 = arith.constant 1 : i32
          %add3A_250 = vector.broadcast %add3A_249 : i32 to vector<16xi32>
          %add3A_251 = arith.addi %and3A_244, %add3A_250 : vector<16xi32>
          %and3A_252 = arith.constant 127 : i32
          %and3A_253 = vector.broadcast %and3A_252 : i32 to vector<16xi32>
          %and3A_254 = arith.andi %add3A_251, %and3A_253 : vector<16xi32>
          %gather3A_255 = tpu.vector_load_idx %arg16[%add3A_191, %and3A_254] : memref<80x128xf32, #tpu.memory_space<vmem>>[vector<16xi32>, vector<16xi32>], vector<16xf32>,
          %gather3A_256 = tpu.vector_load_idx %arg17[%add3A_191, %and3A_254] : memref<80x128xf32, #tpu.memory_space<vmem>>[vector<16xi32>, vector<16xi32>], vector<16xf32>,
          %mul3A_257 = arith.mulf %gather3A_255, %gather3A_256 : vector<16xf32>
          %add3A_258 = arith.addf %add3A_248, %mul3A_257 : vector<16xf32>
          %add3A_259 = arith.constant 1 : i32
          %add3A_260 = vector.broadcast %add3A_259 : i32 to vector<16xi32>
          %add3A_261 = arith.addi %and3A_254, %add3A_260 : vector<16xi32>
          %and3A_262 = arith.constant 127 : i32
          %and3A_263 = vector.broadcast %and3A_262 : i32 to vector<16xi32>
          %and3A_264 = arith.andi %add3A_261, %and3A_263 : vector<16xi32>
          %gather3A_265 = tpu.vector_load_idx %arg16[%add3A_191, %and3A_264] : memref<80x128xf32, #tpu.memory_space<vmem>>[vector<16xi32>, vector<16xi32>], vector<16xf32>,
          %gather3A_266 = tpu.vector_load_idx %arg17[%add3A_191, %and3A_264] : memref<80x128xf32, #tpu.memory_space<vmem>>[vector<16xi32>, vector<16xi32>], vector<16xf32>,
          %mul3A_267 = arith.mulf %gather3A_265, %gather3A_266 : vector<16xf32>
          %add3A_268 = arith.addf %add3A_258, %mul3A_267 : vector<16xf32>
          %add3A_269 = arith.constant 1 : i32
          %add3A_270 = vector.broadcast %add3A_269 : i32 to vector<16xi32>
          %add3A_271 = arith.addi %and3A_264, %add3A_270 : vector<16xi32>
          %and3A_272 = arith.constant 127 : i32
          %and3A_273 = vector.broadcast %and3A_272 : i32 to vector<16xi32>
          %and3A_274 = arith.andi %add3A_271, %and3A_273 : vector<16xi32>
          %gather3A_275 = tpu.vector_load_idx %arg16[%add3A_191, %and3A_274] : memref<80x128xf32, #tpu.memory_space<vmem>>[vector<16xi32>, vector<16xi32>], vector<16xf32>,
          %gather3A_276 = tpu.vector_load_idx %arg17[%add3A_191, %and3A_274] : memref<80x128xf32, #tpu.memory_space<vmem>>[vector<16xi32>, vector<16xi32>], vector<16xf32>,
          %mul3A_277 = arith.mulf %gather3A_275, %gather3A_276 : vector<16xf32>
          %add3A_278 = arith.addf %add3A_268, %mul3A_277 : vector<16xf32>
          %add3A_279 = arith.constant 1 : i32
          %add3A_280 = vector.broadcast %add3A_279 : i32 to vector<16xi32>
          %add3A_281 = arith.addi %and3A_274, %add3A_280 : vector<16xi32>
          %and3A_282 = arith.constant 127 : i32
          %and3A_283 = vector.broadcast %and3A_282 : i32 to vector<16xi32>
          %and3A_284 = arith.andi %add3A_281, %and3A_283 : vector<16xi32>
          %gather3A_285 = tpu.vector_load_idx %arg16[%add3A_191, %and3A_284] : memref<80x128xf32, #tpu.memory_space<vmem>>[vector<16xi32>, vector<16xi32>], vector<16xf32>,
          %gather3A_286 = tpu.vector_load_idx %arg17[%add3A_191, %and3A_284] : memref<80x128xf32, #tpu.memory_space<vmem>>[vector<16xi32>, vector<16xi32>], vector<16xf32>,
          %mul3A_287 = arith.mulf %gather3A_285, %gather3A_286 : vector<16xf32>
          %add3A_288 = arith.addf %add3A_278, %mul3A_287 : vector<16xf32>
          %add3A_289 = arith.constant 1 : i32
          %add3A_290 = vector.broadcast %add3A_289 : i32 to vector<16xi32>
          %add3A_291 = arith.addi %and3A_284, %add3A_290 : vector<16xi32>
          %and3A_292 = arith.constant 127 : i32
          %and3A_293 = vector.broadcast %and3A_292 : i32 to vector<16xi32>
          %and3A_294 = arith.andi %add3A_291, %and3A_293 : vector<16xi32>
          scf.yield %add3A_288, %and3A_294 : vector<16xf32>, vector<16xi32>
        }
        %scan3A_199 = arith.constant 16 : i32
        %neg3A = arith.constant 0.000000e+00 : f32
        %neg3A_200 = vector.broadcast %neg3A : f32 to vector<16xf32>
        %neg3A_201 = arith.subf %neg3A_200, %scan3A_198#0 : vector<16xf32>
        %exp3A = math.exp %neg3A_201 : vector<16xf32>
        %add3A_202 = arith.constant 1.000000e+00 : f32
        %add3A_203 = vector.broadcast %add3A_202 : f32 to vector<16xf32>
        %add3A_204 = arith.addf %add3A_203, %exp3A : vector<16xf32>
        %div3A = arith.constant 1.000000e+00 : f32
        %div3A_205 = vector.broadcast %div3A : f32 to vector<16xf32>
        %div3A_206 = arith.divf %div3A_205, %add3A_204 : vector<16xf32>
        %mul3A_207 = arith.constant 80 : i32
        %mul3A_208 = arith.muli %add3A_158, %mul3A_207 : i32
        %mul3A_209 = arith.constant 16 : i32
        %mul3A_210 = arith.muli %scan3A_186, %mul3A_209 : i32
        %add3A_211 = arith.addi %mul3A_208, %mul3A_210 : i32
        %swap3A = arith.index_cast %add3A_211 : i32 to index
        %swap3A_212 = tpu.vector_load %arg9[%swap3A] {strides = array<i32>} : memref<10000xf32, #tpu.memory_space<vmem>>, vector<16xf32>,
        tpu.vector_store %arg9[%swap3A], %div3A_206 {strides = array<i32>} : memref<10000xf32, #tpu.memory_space<vmem>>, vector<16xf32>,
        %scan3A_213 = arith.constant 0 : i32
        scf.yield %scan3A_213 : i32
      }
      %scan3A_177 = arith.constant 5 : i32
      %add3A_178 = arith.constant 4 : i32
      %add3A_179 = arith.addi %add3A_158, %add3A_178 : i32
      %lt3A_180 = arith.constant 125 : i32
      %lt3A_181 = arith.cmpi slt, %add3A_179, %lt3A_180 : i32
      %convert_element_type3A_182 = arith.extui %lt3A_181 : i1 to i32
      %cond3A_183 = arith.constant 0 : i32
      %cond3A_184 = arith.cmpi ne, %convert_element_type3A_182, %cond3A_183 : i32
      scf.if %cond3A_184 {
        %add3A_186 = arith.constant 4 : i32
        %add3A_187 = arith.addi %add3A_158, %add3A_186 : i32
        %mul3A_188 = arith.constant 80 : i32
        %mul3A_189 = arith.muli %add3A_187, %mul3A_188 : i32
        %dma_start3A_190 = tpu.memref_slice %arg7[%mul3A_189] : memref<10000xi32, #tpu.memory_space<vmem>> -> memref<80xi32, #tpu.memory_space<vmem>>
        %dma_start3A_191 = arith.constant 0 : i32
        %dma_start3A_192 = arith.constant 0 : i32
        %dma_start3A_193 = tpu.memref_slice %arg2[%dma_start3A_191, %dma_start3A_192] : memref<10000x128xf32, #tpu.memory_space<hbm>> -> memref<10000x128xf32, #tpu.memory_space<hbm>>
        tpu.enqueue_indirect_dma source(%dma_start3A_193 : memref<10000x128xf32, #tpu.memory_space<hbm>>) target(%arg16 : memref<80x128xf32, #tpu.memory_space<vmem>>) offsets(%dma_start3A_190 : memref<80xi32, #tpu.memory_space<vmem>>) semaphore(%arg24 : memref<!tpu.dma_semaphore, #tpu.memory_space<semaphore_mem>>)
        %mul3A_194 = arith.constant 80 : i32
        %mul3A_195 = arith.muli %add3A_187, %mul3A_194 : i32
        %dma_start3A_196 = tpu.memref_slice %arg8[%mul3A_195] : memref<10000xi32, #tpu.memory_space<vmem>> -> memref<80xi32, #tpu.memory_space<vmem>>
        %dma_start3A_197 = arith.constant 0 : i32
        %dma_start3A_198 = arith.constant 0 : i32
        %dma_start3A_199 = tpu.memref_slice %arg3[%dma_start3A_197, %dma_start3A_198] : memref<10000x128xf32, #tpu.memory_space<hbm>> -> memref<10000x128xf32, #tpu.memory_space<hbm>>
        tpu.enqueue_indirect_dma source(%dma_start3A_199 : memref<10000x128xf32, #tpu.memory_space<hbm>>) target(%arg17 : memref<80x128xf32, #tpu.memory_space<vmem>>) offsets(%dma_start3A_196 : memref<80xi32, #tpu.memory_space<vmem>>) semaphore(%arg25 : memref<!tpu.dma_semaphore, #tpu.memory_space<semaphore_mem>>)
      } else {
      }
      %scan3A_185 = arith.constant 0 : i32
      scf.yield %scan3A_185 : i32
    }
    %scan3A_54 = arith.constant 31 : i32
    %dma_wait3A_55 = arith.constant 9920 : i32
    %dma_wait3A_56 = tpu.memref_slice %arg7[%dma_wait3A_55] : memref<10000xi32, #tpu.memory_space<vmem>> -> memref<80xi32, #tpu.memory_space<vmem>>
    %dma_wait3A_57 = arith.constant 0 : i32
    %dma_wait3A_58 = arith.constant 0 : i32
    %dma_wait3A_59 = tpu.memref_slice %arg2[%dma_wait3A_57, %dma_wait3A_58] : memref<10000x128xf32, #tpu.memory_space<hbm>> -> memref<10000x128xf32, #tpu.memory_space<hbm>>
    tpu.wait_indirect_dma semaphore(%arg18 : memref<!tpu.dma_semaphore, #tpu.memory_space<semaphore_mem>>) src(%dma_wait3A_59 : memref<10000x128xf32, #tpu.memory_space<hbm>>) dst(%arg10 : memref<80x128xf32, #tpu.memory_space<vmem>>)
    %dma_wait3A_60 = arith.constant 9920 : i32
    %dma_wait3A_61 = tpu.memref_slice %arg8[%dma_wait3A_60] : memref<10000xi32, #tpu.memory_space<vmem>> -> memref<80xi32, #tpu.memory_space<vmem>>
    %dma_wait3A_62 = arith.constant 0 : i32
    %dma_wait3A_63 = arith.constant 0 : i32
    %dma_wait3A_64 = tpu.memref_slice %arg3[%dma_wait3A_62, %dma_wait3A_63] : memref<10000x128xf32, #tpu.memory_space<hbm>> -> memref<10000x128xf32, #tpu.memory_space<hbm>>
    tpu.wait_indirect_dma semaphore(%arg19 : memref<!tpu.dma_semaphore, #tpu.memory_space<semaphore_mem>>) src(%dma_wait3A_64 : memref<10000x128xf32, #tpu.memory_space<hbm>>) dst(%arg11 : memref<80x128xf32, #tpu.memory_space<vmem>>)
    %scan3A_65 = arith.constant 0 : i32
    %scan3A_66 = arith.constant 0 : i32
    %scan3A_67 = arith.constant 5 : i32
    %scan3A_68 = arith.addi %scan3A_66, %scan3A_67 : i32
    %scan3A_69 = arith.constant 1 : i32
    %scan3A_70 = scf.for %scan3A_72 = %scan3A_66 to %scan3A_68 step %scan3A_69 iter_args(%scan3A_73 = %scan3A_65) -> (i32)  : i32 {
      %mul3A_74 = arith.constant 16 : i32
      %mul3A_75 = arith.muli %scan3A_72, %mul3A_74 : i32
      %iota3A = tpu.iota {dimensions = array<i32: 0>} : vector<16xi32>
      %add3A_76 = vector.broadcast %mul3A_75 : i32 to vector<16xi32>
      %add3A_77 = arith.addi %add3A_76, %iota3A : vector<16xi32>
      %broadcast_in_dim3A = arith.constant 0.000000e+00 : f32
      %broadcast_in_dim3A_78 = vector.broadcast %broadcast_in_dim3A : f32 to vector<16xf32>
      %iota3A_79 = tpu.iota {dimensions = array<i32: 0>} : vector<16xi32>
      %scan3A_80 = arith.constant 0 : i32
      %scan3A_81 = arith.constant 16 : i32
      %scan3A_82 = arith.addi %scan3A_80, %scan3A_81 : i32
      %scan3A_83 = arith.constant 1 : i32
      %scan3A_84:2 = scf.for %scan3A_99 = %scan3A_80 to %scan3A_82 step %scan3A_83 iter_args(%scan3A_100 = %broadcast_in_dim3A_78, %scan3A_101 = %iota3A_79) -> (vector<16xf32>, vector<16xi32>)  : i32 {
        %gather3A = tpu.vector_load_idx %arg10[%add3A_77, %scan3A_101] : memref<80x128xf32, #tpu.memory_space<vmem>>[vector<16xi32>, vector<16xi32>], vector<16xf32>,
        %gather3A_102 = tpu.vector_load_idx %arg11[%add3A_77, %scan3A_101] : memref<80x128xf32, #tpu.memory_space<vmem>>[vector<16xi32>, vector<16xi32>], vector<16xf32>,
        %mul3A_103 = arith.mulf %gather3A, %gather3A_102 : vector<16xf32>
        %add3A_104 = arith.addf %scan3A_100, %mul3A_103 : vector<16xf32>
        %add3A_105 = arith.constant 1 : i32
        %add3A_106 = vector.broadcast %add3A_105 : i32 to vector<16xi32>
        %add3A_107 = arith.addi %scan3A_101, %add3A_106 : vector<16xi32>
        %and3A = arith.constant 127 : i32
        %and3A_108 = vector.broadcast %and3A : i32 to vector<16xi32>
        %and3A_109 = arith.andi %add3A_107, %and3A_108 : vector<16xi32>
        %gather3A_110 = tpu.vector_load_idx %arg10[%add3A_77, %and3A_109] : memref<80x128xf32, #tpu.memory_space<vmem>>[vector<16xi32>, vector<16xi32>], vector<16xf32>,
        %gather3A_111 = tpu.vector_load_idx %arg11[%add3A_77, %and3A_109] : memref<80x128xf32, #tpu.memory_space<vmem>>[vector<16xi32>, vector<16xi32>], vector<16xf32>,
        %mul3A_112 = arith.mulf %gather3A_110, %gather3A_111 : vector<16xf32>
        %add3A_113 = arith.addf %add3A_104, %mul3A_112 : vector<16xf32>
        %add3A_114 = arith.constant 1 : i32
        %add3A_115 = vector.broadcast %add3A_114 : i32 to vector<16xi32>
        %add3A_116 = arith.addi %and3A_109, %add3A_115 : vector<16xi32>
        %and3A_117 = arith.constant 127 : i32
        %and3A_118 = vector.broadcast %and3A_117 : i32 to vector<16xi32>
        %and3A_119 = arith.andi %add3A_116, %and3A_118 : vector<16xi32>
        %gather3A_120 = tpu.vector_load_idx %arg10[%add3A_77, %and3A_119] : memref<80x128xf32, #tpu.memory_space<vmem>>[vector<16xi32>, vector<16xi32>], vector<16xf32>,
        %gather3A_121 = tpu.vector_load_idx %arg11[%add3A_77, %and3A_119] : memref<80x128xf32, #tpu.memory_space<vmem>>[vector<16xi32>, vector<16xi32>], vector<16xf32>,
        %mul3A_122 = arith.mulf %gather3A_120, %gather3A_121 : vector<16xf32>
        %add3A_123 = arith.addf %add3A_113, %mul3A_122 : vector<16xf32>
        %add3A_124 = arith.constant 1 : i32
        %add3A_125 = vector.broadcast %add3A_124 : i32 to vector<16xi32>
        %add3A_126 = arith.addi %and3A_119, %add3A_125 : vector<16xi32>
        %and3A_127 = arith.constant 127 : i32
        %and3A_128 = vector.broadcast %and3A_127 : i32 to vector<16xi32>
        %and3A_129 = arith.andi %add3A_126, %and3A_128 : vector<16xi32>
        %gather3A_130 = tpu.vector_load_idx %arg10[%add3A_77, %and3A_129] : memref<80x128xf32, #tpu.memory_space<vmem>>[vector<16xi32>, vector<16xi32>], vector<16xf32>,
        %gather3A_131 = tpu.vector_load_idx %arg11[%add3A_77, %and3A_129] : memref<80x128xf32, #tpu.memory_space<vmem>>[vector<16xi32>, vector<16xi32>], vector<16xf32>,
        %mul3A_132 = arith.mulf %gather3A_130, %gather3A_131 : vector<16xf32>
        %add3A_133 = arith.addf %add3A_123, %mul3A_132 : vector<16xf32>
        %add3A_134 = arith.constant 1 : i32
        %add3A_135 = vector.broadcast %add3A_134 : i32 to vector<16xi32>
        %add3A_136 = arith.addi %and3A_129, %add3A_135 : vector<16xi32>
        %and3A_137 = arith.constant 127 : i32
        %and3A_138 = vector.broadcast %and3A_137 : i32 to vector<16xi32>
        %and3A_139 = arith.andi %add3A_136, %and3A_138 : vector<16xi32>
        %gather3A_140 = tpu.vector_load_idx %arg10[%add3A_77, %and3A_139] : memref<80x128xf32, #tpu.memory_space<vmem>>[vector<16xi32>, vector<16xi32>], vector<16xf32>,
        %gather3A_141 = tpu.vector_load_idx %arg11[%add3A_77, %and3A_139] : memref<80x128xf32, #tpu.memory_space<vmem>>[vector<16xi32>, vector<16xi32>], vector<16xf32>,
        %mul3A_142 = arith.mulf %gather3A_140, %gather3A_141 : vector<16xf32>
        %add3A_143 = arith.addf %add3A_133, %mul3A_142 : vector<16xf32>
        %add3A_144 = arith.constant 1 : i32
        %add3A_145 = vector.broadcast %add3A_144 : i32 to vector<16xi32>
        %add3A_146 = arith.addi %and3A_139, %add3A_145 : vector<16xi32>
        %and3A_147 = arith.constant 127 : i32
        %and3A_148 = vector.broadcast %and3A_147 : i32 to vector<16xi32>
        %and3A_149 = arith.andi %add3A_146, %and3A_148 : vector<16xi32>
        %gather3A_150 = tpu.vector_load_idx %arg10[%add3A_77, %and3A_149] : memref<80x128xf32, #tpu.memory_space<vmem>>[vector<16xi32>, vector<16xi32>], vector<16xf32>,
        %gather3A_151 = tpu.vector_load_idx %arg11[%add3A_77, %and3A_149] : memref<80x128xf32, #tpu.memory_space<vmem>>[vector<16xi32>, vector<16xi32>], vector<16xf32>,
        %mul3A_152 = arith.mulf %gather3A_150, %gather3A_151 : vector<16xf32>
        %add3A_153 = arith.addf %add3A_143, %mul3A_152 : vector<16xf32>
        %add3A_154 = arith.constant 1 : i32
        %add3A_155 = vector.broadcast %add3A_154 : i32 to vector<16xi32>
        %add3A_156 = arith.addi %and3A_149, %add3A_155 : vector<16xi32>
        %and3A_157 = arith.constant 127 : i32
        %and3A_158 = vector.broadcast %and3A_157 : i32 to vector<16xi32>
        %and3A_159 = arith.andi %add3A_156, %and3A_158 : vector<16xi32>
        %gather3A_160 = tpu.vector_load_idx %arg10[%add3A_77, %and3A_159] : memref<80x128xf32, #tpu.memory_space<vmem>>[vector<16xi32>, vector<16xi32>], vector<16xf32>,
        %gather3A_161 = tpu.vector_load_idx %arg11[%add3A_77, %and3A_159] : memref<80x128xf32, #tpu.memory_space<vmem>>[vector<16xi32>, vector<16xi32>], vector<16xf32>,
        %mul3A_162 = arith.mulf %gather3A_160, %gather3A_161 : vector<16xf32>
        %add3A_163 = arith.addf %add3A_153, %mul3A_162 : vector<16xf32>
        %add3A_164 = arith.constant 1 : i32
        %add3A_165 = vector.broadcast %add3A_164 : i32 to vector<16xi32>
        %add3A_166 = arith.addi %and3A_159, %add3A_165 : vector<16xi32>
        %and3A_167 = arith.constant 127 : i32
        %and3A_168 = vector.broadcast %and3A_167 : i32 to vector<16xi32>
        %and3A_169 = arith.andi %add3A_166, %and3A_168 : vector<16xi32>
        %gather3A_170 = tpu.vector_load_idx %arg10[%add3A_77, %and3A_169] : memref<80x128xf32, #tpu.memory_space<vmem>>[vector<16xi32>, vector<16xi32>], vector<16xf32>,
        %gather3A_171 = tpu.vector_load_idx %arg11[%add3A_77, %and3A_169] : memref<80x128xf32, #tpu.memory_space<vmem>>[vector<16xi32>, vector<16xi32>], vector<16xf32>,
        %mul3A_172 = arith.mulf %gather3A_170, %gather3A_171 : vector<16xf32>
        %add3A_173 = arith.addf %add3A_163, %mul3A_172 : vector<16xf32>
        %add3A_174 = arith.constant 1 : i32
        %add3A_175 = vector.broadcast %add3A_174 : i32 to vector<16xi32>
        %add3A_176 = arith.addi %and3A_169, %add3A_175 : vector<16xi32>
        %and3A_177 = arith.constant 127 : i32
        %and3A_178 = vector.broadcast %and3A_177 : i32 to vector<16xi32>
        %and3A_179 = arith.andi %add3A_176, %and3A_178 : vector<16xi32>
        scf.yield %add3A_173, %and3A_179 : vector<16xf32>, vector<16xi32>
      }
      %scan3A_85 = arith.constant 16 : i32
      %neg3A = arith.constant 0.000000e+00 : f32
      %neg3A_86 = vector.broadcast %neg3A : f32 to vector<16xf32>
      %neg3A_87 = arith.subf %neg3A_86, %scan3A_84#0 : vector<16xf32>
      %exp3A = math.exp %neg3A_87 : vector<16xf32>
      %add3A_88 = arith.constant 1.000000e+00 : f32
      %add3A_89 = vector.broadcast %add3A_88 : f32 to vector<16xf32>
      %add3A_90 = arith.addf %add3A_89, %exp3A : vector<16xf32>
      %div3A = arith.constant 1.000000e+00 : f32
      %div3A_91 = vector.broadcast %div3A : f32 to vector<16xf32>
      %div3A_92 = arith.divf %div3A_91, %add3A_90 : vector<16xf32>
      %mul3A_93 = arith.constant 16 : i32
      %mul3A_94 = arith.muli %scan3A_72, %mul3A_93 : i32
      %add3A_95 = arith.constant 9920 : i32
      %add3A_96 = arith.addi %add3A_95, %mul3A_94 : i32
      %swap3A = arith.index_cast %add3A_96 : i32 to index
      %swap3A_97 = tpu.vector_load %arg9[%swap3A] {strides = array<i32>} : memref<10000xf32, #tpu.memory_space<vmem>>, vector<16xf32>,
      tpu.vector_store %arg9[%swap3A], %div3A_92 {strides = array<i32>} : memref<10000xf32, #tpu.memory_space<vmem>>, vector<16xf32>,
      %scan3A_98 = arith.constant 0 : i32
      scf.yield %scan3A_98 : i32
    }
    %scan3A_71 = arith.constant 5 : i32
    "tpu.region"() ({
      %run_scoped3A = tpu.sem_alloc : memref<!tpu.dma_semaphore, #tpu.memory_space<semaphore_mem>>
      %dma_start3A_72 = tpu.memref_slice %arg6[%mul3A_2] : memref<320000xf32, #tpu.memory_space<hbm>> -> memref<10000xf32, #tpu.memory_space<hbm>>
      %dma_start3A_73 = tpu.memref_slice %arg6[%mul3A_2] : memref<320000xf32, #tpu.memory_space<hbm>> -> memref<10000xf32, #tpu.memory_space<hbm>>
      tpu.enqueue_dma source(%arg9 : memref<10000xf32, #tpu.memory_space<vmem>>) target(%dma_start3A_73 : memref<10000xf32, #tpu.memory_space<hbm>>) target_semaphore(%run_scoped3A : memref<!tpu.dma_semaphore, #tpu.memory_space<semaphore_mem>>)
      %dma_wait3A_74 = tpu.memref_slice %arg6[%mul3A_2] : memref<320000xf32, #tpu.memory_space<hbm>> -> memref<10000xf32, #tpu.memory_space<hbm>>
      %dma_wait3A_75 = tpu.memref_slice %arg6[%mul3A_2] : memref<320000xf32, #tpu.memory_space<hbm>> -> memref<10000xf32, #tpu.memory_space<hbm>>
      tpu.wait_dma2 semaphore(%run_scoped3A : memref<!tpu.dma_semaphore, #tpu.memory_space<semaphore_mem>>) src(%arg9 : memref<10000xf32, #tpu.memory_space<vmem>>) dst(%dma_wait3A_75 : memref<10000xf32, #tpu.memory_space<hbm>>)
      tpu.yield
    }) : () -> ()
    return
  }
}

</mosaic_0001>

<sc_bundles>
// kernel: _run.3.cloned.1.call-start
scs
__scs_entry_jumppad:
0x0: {  	(pc) =	sbr.rel $0x88, $3  }
0x1: {  	(tag) =	ssettag $0x0;
	lr =	simm.s32 $0x1  }
0x2: {  	[smem:$0x3F9D] =	sst lr;
	_ =	strace $0xD0000000  }
0x3: {  	_ = 	snop  }
0x4: {  	_ = 	snop  }
0x5: {  	_ = 	snop  }
0x6: {  	_ = 	snop  }
0x7: {  	_ = 	snop  }
__scs_overlays_trampoline_lowered:
0x8: {  	[smem:$0x3FAC] =	sst s0  }
0x9: {  	[smem:$0x3FAD] =	sst s1  }
0xa: {  	[smem:$0x3FAE] =	sst s2  }
0xb: {  	[smem:$0x3FAF] =	sst s3  }
0xc: {  	[smem:$0x3FB0] =	sst s4  }
0xd: {  	[smem:$0x3FB1] =	sst s5  }
0xe: {  	[smem:$0x3FB2] =	sst s6  }
0xf: {  	[smem:$0x3FB3] =	sst s7  }
0x10: {  	[smem:$0x3FB4] =	sst s8  }
0x11: {  	[smem:$0x3FB5] =	sst s9;
	s0 =	simm.s32 @!p0 $0x0  }
0x12: {  	s1 =	sld [smem:$0x3F9B];
	s0 =	simm.s32 @p0 $0x1  }
0x13: {  	[smem:$0x3FB6] =	sst s0;
	s0 =	simm.s32 @!p1 $0x0  }
0x14: {  	s2 =	sld [smem:$0x3F9A];
	s0 =	simm.s32 @p1 $0x1  }
0x15: {  	[smem:$0x3FB7] =	sst s0;
	s0 =	simm.s32 @!p2 $0x0  }
0x16: {  	s3 =	sld [smem:$0x3FDB];
	s0 =	simm.s32 @p2 $0x1  }
0x17: {  	s4 =	simm.s32 $0x1BF5;
	[smem:$0x3FB9] =	sst s0  }
0x18: {  	s0 =	sld [smem:$0x3F9C];
	_ =	swait.ge [sflag:s4], $0x0  }
0x19: {  	s7 =	sld [smem:$0x3F9D]  }
0x1a: {  	s8 =	sadd.s32 $0xFFFFE003, lr  }
0x1b: {  	s9 =	sadd.s32 $0xFFFFFEF7, lr;
	s5 =	simm.s32 $0xFFFFFFFF;
	p2 =	slt.u32 s8, $0xFFFFF086  }
0x1c: {  	p1 =	slt.u32 s9, $0xF7A;
	s5 =	simm.s32 @!p2 $0x0  }
0x1d: {  	s5 =	simm.s32 @p1 $0x1;
	p0 =	seq.s32 s7, s2  }
0x1e: {  	s7 =	smul.u32 @!p0 $0xF7A, s2;
	p2 =	seq.s32 @!p0 s5, $0x0  }
0x1f: {  	s9 =	smul.u32 $0xF7A, s1;
	s8 =	simm.s32 @!p0 $0x1BF5;
	p2 =	por !p2, p0  }
0x20: {  	[sflag:s8] =	ssyncset.s32 @!p0 $0xFFFFF086;
	s6 =	sadd.s32 @!p0 s3, s7;
	s7 =	simm.s32 @!p0 $0x108  }
0x21: {  	s3 =	sadd.s32 s3, s9;
	s6 =	sadd.s32 @!p0 $0x88, s6;
	s7 =	simm.s32 @p2 $0x1082  }
0x22: {  	[simem:s7], [sflag:s8] =	dma.local @!p0 [hbm:s6], $0xF7A  }
0x23: {  	s9 =	sor.u32 $0xD0000000, s2;
	s6 =	simm.s32 $0x108;
	_ =	swait.ge @!p0 [sflag:s8], $0x0  }
0x24: {  	s3 =	sadd.s32 $0x88, s3;
	s6 =	simm.s32 @!p1 $0x1082;
	[sflag:s4] =	ssyncset.s32 $0xFFFFF086  }
0x25: {  	[simem:s6], [sflag:s4] =	dma.local [hbm:s3], $0xF7A  }
0x26: {  	[smem:$0x3F9D] =	sst s1;
	(tag) =	ssettag s2;
	_ =	strace s9  }
0x27: {  	s1 =	sld [smem:$0x3FAD]  }
0x28: {  	s2 =	sld [smem:$0x3FAE]  }
0x29: {  	s4 =	sld [smem:$0x3FB0]  }
0x2a: {  	p0 =	seq.s32 s5, $0x0;
	s5 =	sld [smem:$0x3FB1]  }
0x2b: {  	s6 =	sld [smem:$0x3FB2]  }
0x2c: {  	s7 =	sld [smem:$0x3FB3]  }
0x2d: {  	s3 =	simm.s32 $0x108;
	s8 =	sld [smem:$0x3FB4]  }
0x2e: {  	s3 =	simm.s32 @!p0 $0x1082;
	s9 =	sld [smem:$0x3FB5]  }
0x2f: {  	lr =	sadd.s32 s0, s3;
	s0 =	sld [smem:$0x3FAC]  }
0x30: {  	s3 =	sld [smem:$0x3FAF]  }
0x31: {  	[smem:$0x3FB8] =	sst s10  }
0x32: {  	s10 =	sld [smem:$0x3FB6];
	_ =	sdelay $0x3  }
0x33: {  	p0 =	seq.s32 s10, $0x1;
	s10 =	sld [smem:$0x3FB8];
	_ =	sdelay $0x3  }
0x34: {  	[smem:$0x3FB8] =	sst s10  }
0x35: {  	s10 =	sld [smem:$0x3FB7];
	_ =	sdelay $0x3  }
0x36: {  	p1 =	seq.s32 s10, $0x1;
	s10 =	sld [smem:$0x3FB8];
	_ =	sdelay $0x3  }
0x37: {  	[smem:$0x3FB8] =	sst s10  }
0x38: {  	s10 =	sld [smem:$0x3FB9]  }
0x39: {  	_ = 	snop;
	(pc) =	sbr.ind lr, $3  }
0x3a: {  	_ = 	snop  }
0x3b: {  	_ = 	snop  }
0x3c: {  	p2 =	seq.s32 s10, $0x1;
	s10 =	sld [smem:$0x3FB8]  }
0x3d: {  	_ =	shalt  }
0x3e: {  	_ =	shalt  }
0x3f: {  	_ =	shalt  }
0x40: {  	_ =	shalt  }
0x41: {  	_ =	shalt  }
0x42: {  	_ =	shalt  }
0x43: {  	_ =	shalt  }
0x44: {  	_ =	shalt  }
0x45: {  	_ =	shalt  }
0x46: {  	_ =	shalt  }
0x47: {  	_ =	shalt  }
0x48: {  	_ =	shalt  }
0x49: {  	_ =	shalt  }
0x4a: {  	_ =	shalt  }
0x4b: {  	_ =	shalt  }
0x4c: {  	_ =	shalt  }
0x4d: {  	_ =	shalt  }
0x4e: {  	_ =	shalt  }
0x4f: {  	_ =	shalt  }
0x50: {  	_ =	shalt  }
0x51: {  	_ =	shalt  }
0x52: {  	_ =	shalt  }
0x53: {  	_ =	shalt  }
0x54: {  	_ =	shalt  }
0x55: {  	_ =	shalt  }
0x56: {  	_ =	shalt  }
0x57: {  	_ =	shalt  }
0x58: {  	_ =	shalt  }
0x59: {  	_ =	shalt  }
0x5a: {  	_ =	shalt  }
0x5b: {  	_ =	shalt  }
0x5c: {  	_ =	shalt  }
0x5d: {  	_ =	shalt  }
0x5e: {  	_ =	shalt  }
0x5f: {  	_ =	shalt  }
0x60: {  	_ =	shalt  }
0x61: {  	_ =	shalt  }
0x62: {  	_ =	shalt  }
0x63: {  	_ =	shalt  }
0x64: {  	_ =	shalt  }
0x65: {  	_ =	shalt  }
0x66: {  	_ =	shalt  }
0x67: {  	_ =	shalt  }
0x68: {  	_ =	shalt  }
0x69: {  	_ =	shalt  }
0x6a: {  	_ =	shalt  }
0x6b: {  	_ =	shalt  }
0x6c: {  	_ =	shalt  }
0x6d: {  	_ =	shalt  }
0x6e: {  	_ =	shalt  }
0x6f: {  	_ =	shalt  }
0x70: {  	_ =	shalt  }
0x71: {  	_ =	shalt  }
0x72: {  	_ =	shalt  }
0x73: {  	_ =	shalt  }
0x74: {  	_ =	shalt  }
0x75: {  	_ =	shalt  }
0x76: {  	_ =	shalt  }
0x77: {  	_ =	shalt  }
0x78: {  	_ =	shalt  }
0x79: {  	_ =	shalt  }
0x7a: {  	_ =	shalt  }
0x7b: {  	_ =	shalt  }
0x7c: {  	_ =	shalt  }
0x7d: {  	_ =	shalt  }
0x7e: {  	_ =	shalt  }
0x7f: {  	_ =	shalt  }
0x80: {  	_ =	shalt  }
0x81: {  	_ =	shalt  }
0x82: {  	_ =	shalt  }
0x83: {  	_ =	shalt  }
0x84: {  	_ =	shalt  }
0x85: {  	_ =	shalt  }
0x86: {  	_ =	shalt  }
0x87: {  	_ =	shalt  }
.Lfunc_end0:
.L_simem_size_0:
called_computation_lowered:
.L_overlay_start_0:
0x88: {  	s2 =	sld [smem:$0x3FD9]  }
0x89: {  	s3 =	sld [smem:$0x3FFE];
	_ =	sdelay $0x1  }
0x8a: {  	s1 =	srdreg.scid  }
0x8b: {  	s0 =	sand.u32 $0x1, s1  }
0x8c: {  	s18 =	sshll.u32 s0, $0xA;
	s2 =	sadd.s32 s3, s2  }
0x8d: {  	s2 =	sadd.s32 s2, s18  }
0x8e: {  	[smem:$0x3FC4] =	sst s2  }
0x8f: {  	_ = 	snop  }
0x90: {  	s2 =	sld [smem:$0x3FC9]  }
0x91: {  	s19 =	sld [smem:$0x3FC8]  }
0x92: {  	s4 =	sld [smem:$0x3FC7]  }
0x93: {  	s5 =	sld [smem:$0x3FC6]  }
0x94: {  	s6 =	sld [smem:$0x3FD0];
	(tm) =	ssettm $0x1  }
0x95: {  	s7 =	sld [smem:$0x3FFB];
	_ =	sdelay $0x3  }
0x96: {  	_ =	strace s7  }
0x97: {  	s7 =	sld [smem:$0x3FFC];
	_ =	sdelay $0x3  }
0x98: {  	_ =	strace s7  }
0x99: {  	s7 =	sld [smem:$0x3FFD];
	_ =	sdelay $0x3  }
0x9a: {  	_ =	strace s7  }
0x9b: {  	_ =	strace $0x8FFFFFFF  }
0x9c: {  	s20 =	sld [smem:$0x3FDB];
	_ =	sdelay $0x1  }
0x9d: {  	s8 =	simm.s32 $_scs_section_size  }
0x9e: {  	s9 =	simm.s32 $_size__tile_overlayer_lowered;
	s10 =	simm.s32 $_tile_overlayer_lowered  }
0x9f: {  	s23 =	simm.s32 $0x1BFF;
	s22 =	sshll.u32 s10, $0x1;
	s7 =	sadd.s32 s8, s20  }
0xa0: {  	s11 =	simm.s32 $0x0;
	s21 =	sshll.u32 s9, $0x1;
	s9 =	sadd.s32 s22, s7  }
0xa1: {  	[timem:s11], [sflag:s23] =	dma.local [hbm:s9], s21  }
0xa2: {  	_ =	swait.ge [sflag:s23], s21  }
0xa3: {  	s8 =	ssub.s32 $0x0, s21;
	[sflag:s23] =	ssyncset.done $0x0  }
0xa4: {  	[sflag:s23] =	ssyncadd.s32 s8;
	_ =	sdelay $0x1  }
0xa5: {  	s24 =	simm.s32 $0x1B8B  }
0xa6: {  	_ =	swait.ge [sflag:s24], $0x1  }
0xa7: {  	[sflag:s24] =	ssyncset.done $0x0  }
0xa8: {  	s25 =	simm.s32 $0x1B8E;
	[sflag:s24] =	ssyncadd.s32 $0xFFFFFFFF  }
0xa9: {  	s26 =	simm.s32 $execute0_lowered;
	[smem:$0x3FD2] =	sst s25  }
0xaa: {  	s8 =	sshll.u32 s26, $0x1;
	_ =	strace $0x80000046;
	[dreg:$0x1] =	wrdreg $0xFFFFFFFF  }
0xab: {  	s28 =	simm.s32 $_size_execute0_lowered;
	s7 =	sadd.s32 s7, s8;
	[dreg:$0x0] =	wrdreg $0x0  }
0xac: {  	s8 =	sshll.u32 s28, $0x1;
	[dreg:$0x2] =	wrdreg s7  }
0xad: {  	[dreg:$0x3] =	wrdreg s8  }
0xae: {  	[dreg:$0x4] =	wrdreg $0xC0  }
0xaf: {  	_ =	task [dreg:s11], $0x5FFFF  }
0xb0: {  	[dreg:$0x1] =	wrdreg $0xFFFFFFFF  }
0xb1: {  	[dreg:$0x0] =	wrdreg $0x60  }
0xb2: {  	[dreg:$0x2] =	wrdreg s2  }
0xb3: {  	[dreg:$0x3] =	wrdreg s19  }
0xb4: {  	[dreg:$0x4] =	wrdreg s4  }
0xb5: {  	[dreg:$0x5] =	wrdreg s5  }
0xb6: {  	[dreg:$0x6] =	wrdreg s6  }
0xb7: {  	[dreg:$0x7] =	wrdreg $0x9  }
0xb8: {  	_ =	task.clear_ibuf [dreg:s11], $0x8FFFF;
	_ =	strace $0x90000046  }
0xb9: {  	s29 =	simm.s32 $0x9;
	_ =	strace $0x80000048  }
0xba: {  	_ =	swait.ge [sflag:s29], $0x1  }
0xbb: {  	[sflag:s29] =	ssyncadd.s32 $0xFFFFFFFF  }
0xbc: {  	_ =	strace $0x90000048  }
0xbd: {  	_ =	sfence  }
0xbe: {  	s30 =	sld [smem:$0x0];
	_ =	sdelay $0x2  }
0xbf: {  	s31 =	sshll.u32 s1, $0xD;
	s1 =	sshrl.u32 s1, $0x2  }
0xc0: {  	s3 =	sand.u32 $0x4000, s31;
	s1 =	sadd.s32 s1, s30  }
0xc1: {  	s0 =	sor.u32 s3, s0;
	s1 =	sshll.u32 s1, $0x11  }
0xc2: {  	s0 =	sor.u32 s1, s0  }
0xc3: {  	s0 =	sadd.s32 $0x8F2B, s0  }
0xc4: {  	[sflag:s0] =	ssyncadd.remote.s32 $0x1  }
0xc5: {  	_ =	sfence.sel $0xFFFF  }
0xc6: {  	[dreg:$0x0] =	wrdreg $0xFFFFFFFF;
	(pc) =	sbr.abs _section_cstart, $3  }
0xc7: {  	[dreg:$0x1] =	wrdreg $0xFFFFFFFF  }
0xc8: {  	_ =	task.clear_ibuf [dreg:s11], $0x2FFFF;
	_ =	strace $0x9FFFFFFF  }
0xc9: {  	(tm) =	ssettm $0x7FFFFFFF  }
tec
execute0_lowered:
.L_overlay_start_1:
0x0: {  	(tag) =	ssettag $0x1  }
0x1: {  	s0 =	rddreg [dreg:$0x0]  }
0x2: {  	s2 =	rddreg [dreg:$0x1]  }
0x3: {  	s1 =	rddreg [dreg:$0x2]  }
0x4: {  	s3 =	rddreg [dreg:$0x3];
	s4 =	srdreg.scid  }
0x5: {  	s7 =	stileid.u32;
	s5 =	rddreg [dreg:$0x4]  }
0x6: {  	s10 =	simm.s32 $0x9;
	s11 =	simm.s32 $0x50;
	s12 =	simm.s32 $0x7680  }
0x7: {  	s13 =	simm.s32 $0x9E80;
	s14 =	simm.s32 $0xC680;
	s16 =	simm.s32 $0xEE80  }
0x8: {  	s18 =	simm.s32 $0x11680;
	s20 =	simm.s32 $0x13E80;
	s22 =	simm.s32 $0x16680  }
0x9: {  	s24 =	simm.s32 $0x18E80;
	s28 =	simm.s32 $0x3;
	s29 =	simm.s32 $0x4  }
0xa: {  	s30 =	simm.s32 $0x5;
	s31 =	simm.s32 $0x6;
	s17 =	simm.s32 $0xA  }
0xb: {  	s19 =	simm.s32 $0x0;
	s6 =	sand.u32 $0x1, s4;
	s25 =	sshll.u32 s7, $0x1  }
0xc: {  	s4 =	simm.s32 $0x0;
	s7 =	sor.u32 s6, s25;
	s6 =	ssub.s32 $0x2, s6  }
0xd: {  	[smem:$0x7FF] =	sst s4;
	s7 =	smul.u32 $0x4E2, s7;
	s8 =	sshrl.u32 s6, $0x1  }
0xe: {  	s25 =	simm.s32 $0x1;
	_ =	strace $0x80000047;
	s6 =	ssub.s32 s6, s8  }
0xf: {  	s1 =	sadd.s32 s1, s7;
	s26 =	sadd.s32 s3, s7;
	s7 =	sadd.s32 s5, s7  }
0x10: {  	s8 =	smax.u32 s6, $0x1;
	s3 =	simm.s32 $0x7;
	[dreg:$0x6] =	wrdreg s1  }
0x11: {  	[dreg:$0x7] =	wrdreg s26;
	s26 =	simm.s32 $0x2;
	s1 =	simm.s32 $0x8  }
.LBB2_1:
0x12: {  	s5 =	rddreg [dreg:$0x6]  }
0x13: {  	[tilespmem:s4], [sflag:$0x9] =	stream.linear.gather [hbm4b:s5+s4], $0x2710, $0x38;
	[tilespmem:$0x1B680] =	vst v63  }
0x14: {  	s23 =	rddreg [dreg:$0x7];
	s6 =	simm.s32 $0x2780  }
0x15: {  	[tilespmem:s6], [sflag:$0x9] =	stream.linear.gather [hbm4b:s23+s4], $0x2710, $0x38;
	[tilespmem:$0x1B680] =	vst v63  }
0x16: {  	_ =	swait.ge [sflag:s10], $0x2710  }
0x17: {  	[sflag:s10] =	ssyncset.done $0x0  }
0x18: {  	[sflag:s10] =	ssyncadd.s32 $0xFFFFD8F0  }
0x19: {  	_ =	swait.ge [sflag:s10], $0x2710  }
0x1a: {  	[sflag:s10] =	ssyncset.done $0x0  }
0x1b: {  	[sflag:s10] =	ssyncadd.s32 $0xFFFFD8F0  }
0x1c: {  	[tilespmem:s12], [sflag:$0x1] =	stream.indirect.gather [hbm4b:s0+s11], $0x80, s4, s11, $0xb8;
	[tilespmem:$0x1B680] =	vst v63  }
0x1d: {  	_ = 	snop  }
0x1e: {  	[tilespmem:s13], [sflag:$0x2] =	stream.indirect.gather [hbm4b:s2+s11], $0x80, s6, s11, $0xb8;
	[tilespmem:$0x1B680] =	vst v63  }
0x1f: {  	_ = 	snop  }
0x20: {  	[tilespmem:s14], [sflag:$0x3] =	stream.indirect.gather [hbm4b:s0+s11], $0x80, s11, s11, $0xb8;
	[tilespmem:$0x1B680] =	vst v63  }
0x21: {  	s6 =	simm.s32 $0x27D0  }
0x22: {  	[tilespmem:s16], [sflag:$0x4] =	stream.indirect.gather [hbm4b:s2+s11], $0x80, s6, s11, $0xb8;
	[tilespmem:$0x1B680] =	vst v63  }
0x23: {  	s9 =	simm.s32 $0xA0  }
0x24: {  	[tilespmem:s18], [sflag:$0x5] =	stream.indirect.gather [hbm4b:s0+s11], $0x80, s9, s11, $0xb8;
	[tilespmem:$0x1B680] =	vst v63  }
0x25: {  	s15 =	simm.s32 $0x2820  }
0x26: {  	[tilespmem:s20], [sflag:$0x6] =	stream.indirect.gather [hbm4b:s2+s11], $0x80, s15, s11, $0xb8;
	[tilespmem:$0x1B680] =	vst v63  }
0x27: {  	s21 =	simm.s32 $0xF0  }
0x28: {  	[tilespmem:s22], [sflag:$0x7] =	stream.indirect.gather [hbm4b:s0+s11], $0x80, s21, s11, $0xb8;
	[tilespmem:$0x1B680] =	vst v63  }
0x29: {  	s23 =	simm.s32 $0x2870;
	s21 =	simm.s32 $0x0  }
0x2a: {  	[tilespmem:s24], [sflag:$0x8] =	stream.indirect.gather [hbm4b:s2+s11], $0x80, s23, s11, $0xb8;
	[tilespmem:$0x1B680] =	vst v63  }
.LBB2_2:
0x2b: {  	_ =	swait.ge [sflag:s25], $0x2800  }
0x2c: {  	s5 =	smul.u32 $0x500, s21;
	[sflag:s25] =	ssyncset.done $0x0  }
0x2d: {  	[sflag:s25] =	ssyncadd.s32 $0xFFFFD800  }
0x2e: {  	s15 =	sshra.s32 s5, $0x2;
	_ =	swait.ge [sflag:s26], $0x2800  }
0x2f: {  	s5 =	sadd.s32 $0x4F00, s15;
	[sflag:s26] =	ssyncset.done $0x0  }
0x30: {  	s23 =	simm.s32 $0x0;
	v0 =	vmov s5;
	[sflag:s26] =	ssyncadd.s32 $0xFFFFD800  }
.LBB2_3:
0x31: {  	s9 =	sshll.u32 s23, $0x4;
	v2 =	vlaneseq.u32  }
0x32: {  	v1 =	vmov s9;
	v3 =	vmul.u32 $0x80, v2  }
0x33: {  	v1 =	vshll.u32 v1, $0x7  }
0x34: {  	v1 =	vor.u32 v3, v1  }
0x35: {  	v4 =	vadd.s32 $0x1, v2;
	v3 =	vor.u32 v1, v2  }
0x36: {  	v4 =	vand.u32 $0x7F, v4  }
0x37: {  	v5 =	vadd.s32 $0x2, v2;
	v4 =	vor.u32 v1, v4  }
0x38: {  	v5 =	vand.u32 $0x7F, v5  }
0x39: {  	v6 =	vadd.s32 $0x3, v2;
	v5 =	vor.u32 v1, v5  }
0x3a: {  	v6 =	vand.u32 $0x7F, v6;
	v8 =	vld.idx.msk [tilespmem:v3+s12+$0x0], $0xffff  }
0x3b: {  	v9 =	vor.u32 v1, v6;
	v10 =	vld.idx.msk [tilespmem:v3+s13+$0x0], $0xffff;
	v3 =	vadd.s32 $0x4, v2  }
0x3c: {  	v11 =	vld.idx.msk [tilespmem:v4+s12+$0x0], $0xffff;
	v3 =	vand.u32 $0x7F, v3  }
0x3d: {  	v12 =	vld.idx.msk [tilespmem:v4+s13+$0x0], $0xffff;
	v4 =	vadd.s32 $0x5, v2;
	v14 =	vor.u32 v1, v3  }
0x3e: {  	v7 =	vld.idx.msk [tilespmem:v5+s13+$0x0], $0xffff;
	v4 =	vand.u32 $0x7F, v4  }
0x3f: {  	v3 =	vld.idx.msk [tilespmem:v5+s12+$0x0], $0xffff;
	v6 =	vor.u32 v1, v4;
	v5 =	vadd.s32 $0x6, v2  }
0x40: {  	v4 =	vld.idx.msk [tilespmem:v9+s12+$0x0], $0xffff;
	v5 =	vand.u32 $0x7F, v5  }
0x41: {  	v13 =	vadd.s32 $0x7, v2;
	v9 =	vld.idx.msk [tilespmem:v9+s13+$0x0], $0xffff;
	v10 =	vmul.f32 v10, v8;
	v8 =	vor.u32 v1, v5  }
0x42: {  	v15 =	vimm.f32 $0.0e+00;
	v16 =	vand.u32 $0x7F, v13;
	v5 =	vld.idx.msk [tilespmem:v14+s12+$0x0], $0xffff  }
0x43: {  	v2 =	vadd.s32 $0x8, v2;
	v13 =	vmul.f32 v12, v11;
	v12 =	vor.u32 v1, v16;
	v11 =	vld.idx.msk [tilespmem:v14+s13+$0x0], $0xffff  }
0x44: {  	s5 =	simm.s32 $0xF;
	v2 =	vand.u32 $0x7F, v2;
	v14 =	vadd.f32 v10, v15;
	v10 =	vld.idx.msk [tilespmem:v6+s12+$0x0], $0xffff  }
.LBB2_4:
0x45: {  	v15 =	vor.u32 v1, v2;
	v16 =	vadd.s32 $0x1, v2;
	p0 =	sne.s32 s5, $0x1;
	s5 =	sadd.s32 $0xFFFFFFFF, s5;
	v3 =	vmul.f32 v7, v3;
	v6 =	vld.idx.msk [tilespmem:v6+s13+$0x0], $0xffff  }
0x46: {  	v7 =	vand.u32 $0x7F, v16;
	v16 =	vadd.s32 $0x2, v2;
	v13 =	vadd.f32 v13, v14;
	v14 =	vld.idx.msk [tilespmem:v8+s12+$0x0], $0xffff  }
0x47: {  	v4 =	vmul.f32 v9, v4;
	v7 =	vor.u32 v1, v7;
	v8 =	vld.idx.msk [tilespmem:v8+s13+$0x0], $0xffff  }
0x48: {  	v9 =	vand.u32 $0x7F, v16;
	v3 =	vadd.f32 v3, v13;
	v13 =	vld.idx.msk [tilespmem:v12+s12+$0x0], $0xffff  }
0x49: {  	v16 =	vadd.s32 $0x3, v2;
	v9 =	vor.u32 v1, v9;
	v5 =	vmul.f32 v11, v5;
	v11 =	vld.idx.msk [tilespmem:v12+s13+$0x0], $0xffff  }
0x4a: {  	v16 =	vand.u32 $0x7F, v16;
	v12 =	vld.idx.msk [tilespmem:v15+s12+$0x0], $0xffff;
	v3 =	vadd.f32 v4, v3  }
0x4b: {  	v16 =	vor.u32 v1, v16;
	v4 =	vadd.s32 $0x4, v2;
	v6 =	vmul.f32 v6, v10;
	v15 =	vld.idx.msk [tilespmem:v15+s13+$0x0], $0xffff  }
0x4c: {  	v4 =	vand.u32 $0x7F, v4;
	v10 =	vld.idx.msk [tilespmem:v7+s12+$0x0], $0xffff;
	v5 =	vadd.f32 v5, v3  }
0x4d: {  	v18 =	vor.u32 v1, v4;
	v4 =	vadd.s32 $0x5, v2;
	v8 =	vmul.f32 v8, v14;
	v17 =	vld.idx.msk [tilespmem:v7+s13+$0x0], $0xffff  }
0x4e: {  	v4 =	vand.u32 $0x7F, v4;
	v3 =	vld.idx.msk [tilespmem:v9+s12+$0x0], $0xffff;
	v5 =	vadd.f32 v6, v5  }
0x4f: {  	v6 =	vor.u32 v1, v4;
	v11 =	vmul.f32 v11, v13;
	v7 =	vld.idx.msk [tilespmem:v9+s13+$0x0], $0xffff;
	v9 =	vadd.s32 $0x6, v2  }
.Ltmp0:
0x50: {  	v4 =	vld.idx.msk [tilespmem:v16+s12+$0x0], $0xffff;
	v13 =	vand.u32 $0x7F, v9;
	v14 =	vadd.f32 v8, v5;
	(pc) =	sbr.rel @p0 .LBB2_4-.Ltmp0, $4  }
0x51: {  	v15 =	vmul.f32 v15, v12;
	v12 =	vadd.s32 $0x7, v2;
	v9 =	vld.idx.msk [tilespmem:v16+s13+$0x0], $0xffff;
	v8 =	vor.u32 v1, v13  }
0x52: {  	v12 =	vand.u32 $0x7F, v12;
	v5 =	vld.idx.msk [tilespmem:v18+s12+$0x0], $0xffff;
	v14 =	vadd.f32 v11, v14  }
0x53: {  	v2 =	vadd.s32 $0x8, v2;
	v13 =	vmul.f32 v17, v10;
	v12 =	vor.u32 v1, v12;
	v11 =	vld.idx.msk [tilespmem:v18+s13+$0x0], $0xffff  }
0x54: {  	v2 =	vand.u32 $0x7F, v2;
	v14 =	vadd.f32 v15, v14;
	v10 =	vld.idx.msk [tilespmem:v6+s12+$0x0], $0xffff  }
0x55: {  	_ =	sdelay $0x2  }
0x56: {  	v1 =	vmul.f32 v7, v3;
	v2 =	vadd.f32 v13, v14  }
0x57: {  	v3 =	vld.idx.msk [tilespmem:v6+s13+$0x0], $0xffff  }
0x58: {  	v61 =	vld.idx.msk [tilespmem:v8+s12+$0x0], $0xffff;
	v4 =	vmul.f32 v9, v4;
	v1 =	vadd.f32 v1, v2  }
0x59: {  	v2 =	vld.idx.msk [tilespmem:v8+s13+$0x0], $0xffff  }
0x5a: {  	v62 =	vld.idx.msk [tilespmem:v12+s12+$0x0], $0xffff;
	v5 =	vmul.f32 v11, v5;
	v1 =	vadd.f32 v4, v1  }
0x5b: {  	v63 =	vld.idx.msk [tilespmem:v12+s13+$0x0], $0xffff  }
0x5c: {  	v3 =	vmul.f32 v3, v10;
	v1 =	vadd.f32 v5, v1;
	_ =	sdelay $0x1  }
0x5d: {  	v2 =	vmul.f32 v2, v61;
	v1 =	vadd.f32 v3, v1;
	_ =	sdelay $0x1  }
0x5e: {  	v3 =	vmul.f32 v63, v62;
	v1 =	vadd.f32 v2, v1;
	_ =	sdelay $0x1  }
0x5f: {  	v1 =	vadd.f32 v3, v1;
	_ =	sdelay $0x1  }
0x60: {  	v1 =	vsub.f32 $0.0e+00, v1;
	_ =	sdelay $0x1  }
0x61: {  	v1 =	vmul.f32 $1.442695020e+00, v1;
	_ =	sdelay $0x1  }
0x62: {  	(erf) = vpow2.f32 v1;
	_ =	sdelay $0x8  }
0x63: {  	v1 =	vpop (erf)  }
0x64: {  	v1 =	vadd.f32 $1.000000000e+00, v1;
	_ =	sdelay $0x1  }
0x65: {  	(erf) = vrcp.f32 v1;
	_ =	sdelay $0x3  }
0x66: {  	s23 =	sadd.s32 $0x1, s23  }
0x67: {  	p0 =	sne.s32 s23, $0x5  }
.Ltmp1:
0x68: {  	_ = 	snop;
	(pc) =	sbr.rel @p0 .LBB2_3-.Ltmp1, $3  }
0x69: {  	_ =	sdelay $0x1  }
0x6a: {  	v1 =	vpop (erf)  }
0x6b: {  	[tilespmem:v0+s9+$0x0 ss:$0x1] =	vst.idx.msk $0xffff, v1  }
0x6c: {  	s23 =	smul.u32 $0x140, s21;
	_ =	sdelay $0x1  }
0x6d: {  	s5 =	sadd.s32 $0x140, s23  }
0x6e: {  	[tilespmem:s12], [sflag:$0x1] =	stream.indirect.gather [hbm4b:s0+s11], $0x80, s5, s11, $0xb8;
	[tilespmem:$0x1B680] =	vst v63  }
0x6f: {  	s9 =	sadd.s32 $0x28C0, s23  }
0x70: {  	[tilespmem:s13], [sflag:$0x2] =	stream.indirect.gather [hbm4b:s2+s11], $0x80, s9, s11, $0xb8;
	[tilespmem:$0x1B680] =	vst v63  }
0x71: {  	_ =	swait.ge [sflag:s28], $0x2800  }
0x72: {  	[sflag:s28] =	ssyncset.done $0x0  }
0x73: {  	[sflag:s28] =	ssyncadd.s32 $0xFFFFD800  }
0x74: {  	_ =	swait.ge [sflag:s29], $0x2800  }
0x75: {  	s6 =	sadd.s32 $0x4F50, s15;
	[sflag:s29] =	ssyncset.done $0x0  }
0x76: {  	v0 =	vmov s6;
	s9 =	simm.s32 $0x0;
	[sflag:s29] =	ssyncadd.s32 $0xFFFFD800  }
.LBB2_7:
0x77: {  	s5 =	sshll.u32 s9, $0x4;
	v2 =	vlaneseq.u32  }
0x78: {  	v1 =	vmov s5;
	v3 =	vmul.u32 $0x80, v2  }
0x79: {  	v1 =	vshll.u32 v1, $0x7  }
0x7a: {  	v1 =	vor.u32 v3, v1  }
0x7b: {  	v4 =	vadd.s32 $0x1, v2;
	v3 =	vor.u32 v1, v2  }
0x7c: {  	v4 =	vand.u32 $0x7F, v4  }
0x7d: {  	v5 =	vadd.s32 $0x2, v2;
	v4 =	vor.u32 v1, v4  }
0x7e: {  	v5 =	vand.u32 $0x7F, v5  }
0x7f: {  	v6 =	vadd.s32 $0x3, v2;
	v5 =	vor.u32 v1, v5  }
0x80: {  	v6 =	vand.u32 $0x7F, v6;
	v8 =	vld.idx.msk [tilespmem:v3+s14+$0x0], $0xffff  }
0x81: {  	v9 =	vor.u32 v1, v6;
	v10 =	vld.idx.msk [tilespmem:v3+s16+$0x0], $0xffff;
	v3 =	vadd.s32 $0x4, v2  }
0x82: {  	v11 =	vld.idx.msk [tilespmem:v4+s14+$0x0], $0xffff;
	v3 =	vand.u32 $0x7F, v3  }
0x83: {  	v12 =	vld.idx.msk [tilespmem:v4+s16+$0x0], $0xffff;
	v4 =	vadd.s32 $0x5, v2;
	v14 =	vor.u32 v1, v3  }
0x84: {  	v7 =	vld.idx.msk [tilespmem:v5+s16+$0x0], $0xffff;
	v4 =	vand.u32 $0x7F, v4  }
0x85: {  	v3 =	vld.idx.msk [tilespmem:v5+s14+$0x0], $0xffff;
	v6 =	vor.u32 v1, v4;
	v5 =	vadd.s32 $0x6, v2  }
0x86: {  	v4 =	vld.idx.msk [tilespmem:v9+s14+$0x0], $0xffff;
	v5 =	vand.u32 $0x7F, v5  }
0x87: {  	v13 =	vadd.s32 $0x7, v2;
	v9 =	vld.idx.msk [tilespmem:v9+s16+$0x0], $0xffff;
	v10 =	vmul.f32 v10, v8;
	v8 =	vor.u32 v1, v5  }
0x88: {  	v15 =	vimm.f32 $0.0e+00;
	v16 =	vand.u32 $0x7F, v13;
	v5 =	vld.idx.msk [tilespmem:v14+s14+$0x0], $0xffff  }
0x89: {  	v2 =	vadd.s32 $0x8, v2;
	v13 =	vmul.f32 v12, v11;
	v12 =	vor.u32 v1, v16;
	v11 =	vld.idx.msk [tilespmem:v14+s16+$0x0], $0xffff  }
0x8a: {  	s6 =	simm.s32 $0xF;
	v2 =	vand.u32 $0x7F, v2;
	v14 =	vadd.f32 v10, v15;
	v10 =	vld.idx.msk [tilespmem:v6+s14+$0x0], $0xffff  }
.LBB2_8:
0x8b: {  	v15 =	vor.u32 v1, v2;
	v16 =	vadd.s32 $0x1, v2;
	p0 =	sne.s32 s6, $0x1;
	s6 =	sadd.s32 $0xFFFFFFFF, s6;
	v3 =	vmul.f32 v7, v3;
	v6 =	vld.idx.msk [tilespmem:v6+s16+$0x0], $0xffff  }
0x8c: {  	v7 =	vand.u32 $0x7F, v16;
	v16 =	vadd.s32 $0x2, v2;
	v13 =	vadd.f32 v13, v14;
	v14 =	vld.idx.msk [tilespmem:v8+s14+$0x0], $0xffff  }
0x8d: {  	v4 =	vmul.f32 v9, v4;
	v7 =	vor.u32 v1, v7;
	v8 =	vld.idx.msk [tilespmem:v8+s16+$0x0], $0xffff  }
0x8e: {  	v9 =	vand.u32 $0x7F, v16;
	v3 =	vadd.f32 v3, v13;
	v13 =	vld.idx.msk [tilespmem:v12+s14+$0x0], $0xffff  }
0x8f: {  	v16 =	vadd.s32 $0x3, v2;
	v9 =	vor.u32 v1, v9;
	v5 =	vmul.f32 v11, v5;
	v11 =	vld.idx.msk [tilespmem:v12+s16+$0x0], $0xffff  }
0x90: {  	v16 =	vand.u32 $0x7F, v16;
	v12 =	vld.idx.msk [tilespmem:v15+s14+$0x0], $0xffff;
	v3 =	vadd.f32 v4, v3  }
0x91: {  	v16 =	vor.u32 v1, v16;
	v4 =	vadd.s32 $0x4, v2;
	v6 =	vmul.f32 v6, v10;
	v15 =	vld.idx.msk [tilespmem:v15+s16+$0x0], $0xffff  }
0x92: {  	v4 =	vand.u32 $0x7F, v4;
	v10 =	vld.idx.msk [tilespmem:v7+s14+$0x0], $0xffff;
	v5 =	vadd.f32 v5, v3  }
0x93: {  	v18 =	vor.u32 v1, v4;
	v4 =	vadd.s32 $0x5, v2;
	v8 =	vmul.f32 v8, v14;
	v17 =	vld.idx.msk [tilespmem:v7+s16+$0x0], $0xffff  }
0x94: {  	v4 =	vand.u32 $0x7F, v4;
	v3 =	vld.idx.msk [tilespmem:v9+s14+$0x0], $0xffff;
	v5 =	vadd.f32 v6, v5  }
0x95: {  	v6 =	vor.u32 v1, v4;
	v11 =	vmul.f32 v11, v13;
	v7 =	vld.idx.msk [tilespmem:v9+s16+$0x0], $0xffff;
	v9 =	vadd.s32 $0x6, v2  }
.Ltmp2:
0x96: {  	v4 =	vld.idx.msk [tilespmem:v16+s14+$0x0], $0xffff;
	v13 =	vand.u32 $0x7F, v9;
	v14 =	vadd.f32 v8, v5;
	(pc) =	sbr.rel @p0 .LBB2_8-.Ltmp2, $4  }
0x97: {  	v15 =	vmul.f32 v15, v12;
	v12 =	vadd.s32 $0x7, v2;
	v9 =	vld.idx.msk [tilespmem:v16+s16+$0x0], $0xffff;
	v8 =	vor.u32 v1, v13  }
0x98: {  	v12 =	vand.u32 $0x7F, v12;
	v5 =	vld.idx.msk [tilespmem:v18+s14+$0x0], $0xffff;
	v14 =	vadd.f32 v11, v14  }
0x99: {  	v2 =	vadd.s32 $0x8, v2;
	v13 =	vmul.f32 v17, v10;
	v12 =	vor.u32 v1, v12;
	v11 =	vld.idx.msk [tilespmem:v18+s16+$0x0], $0xffff  }
0x9a: {  	v2 =	vand.u32 $0x7F, v2;
	v14 =	vadd.f32 v15, v14;
	v10 =	vld.idx.msk [tilespmem:v6+s14+$0x0], $0xffff  }
0x9b: {  	_ =	sdelay $0x2  }
0x9c: {  	v1 =	vmul.f32 v7, v3;
	v2 =	vadd.f32 v13, v14  }
0x9d: {  	v3 =	vld.idx.msk [tilespmem:v6+s16+$0x0], $0xffff  }
0x9e: {  	v61 =	vld.idx.msk [tilespmem:v8+s14+$0x0], $0xffff;
	v4 =	vmul.f32 v9, v4;
	v1 =	vadd.f32 v1, v2  }
0x9f: {  	v2 =	vld.idx.msk [tilespmem:v8+s16+$0x0], $0xffff  }
0xa0: {  	v62 =	vld.idx.msk [tilespmem:v12+s14+$0x0], $0xffff;
	v5 =	vmul.f32 v11, v5;
	v1 =	vadd.f32 v4, v1  }
0xa1: {  	v63 =	vld.idx.msk [tilespmem:v12+s16+$0x0], $0xffff  }
0xa2: {  	v3 =	vmul.f32 v3, v10;
	v1 =	vadd.f32 v5, v1;
	_ =	sdelay $0x1  }
0xa3: {  	v2 =	vmul.f32 v2, v61;
	v1 =	vadd.f32 v3, v1;
	_ =	sdelay $0x1  }
0xa4: {  	v3 =	vmul.f32 v63, v62;
	v1 =	vadd.f32 v2, v1;
	_ =	sdelay $0x1  }
0xa5: {  	v1 =	vadd.f32 v3, v1;
	_ =	sdelay $0x1  }
0xa6: {  	v1 =	vsub.f32 $0.0e+00, v1;
	_ =	sdelay $0x1  }
0xa7: {  	v1 =	vmul.f32 $1.442695020e+00, v1;
	_ =	sdelay $0x1  }
0xa8: {  	(erf) = vpow2.f32 v1;
	_ =	sdelay $0x8  }
0xa9: {  	v1 =	vpop (erf)  }
0xaa: {  	v1 =	vadd.f32 $1.000000000e+00, v1;
	_ =	sdelay $0x1  }
0xab: {  	(erf) = vrcp.f32 v1;
	_ =	sdelay $0x3  }
0xac: {  	s9 =	sadd.s32 $0x1, s9  }
0xad: {  	p0 =	sne.s32 s9, $0x5  }
.Ltmp3:
0xae: {  	_ = 	snop;
	(pc) =	sbr.rel @p0 .LBB2_7-.Ltmp3, $3  }
0xaf: {  	_ =	sdelay $0x1  }
0xb0: {  	v1 =	vpop (erf)  }
0xb1: {  	[tilespmem:v0+s5+$0x0 ss:$0x1] =	vst.idx.msk $0xffff, v1  }
0xb2: {  	p0 =	seq.s32 s21, $0x1E  }
0xb3: {  	s5 =	sadd.s32 @!p0 $0x190, s23;
	s6 =	simm.s32 @!p0 $0x50;
	s9 =	simm.s32 @!p0 $0xC680  }
0xb4: {  	[tilespmem:s9], [sflag:$0x3] =	stream.indirect.gather @!p0 [hbm4b:s0+s6], $0x80, s5, s6, $0xb8;
	[tilespmem:$0x1B680] =	vst v63  }
0xb5: {  	s5 =	sadd.s32 @!p0 $0x2910, s23;
	s9 =	simm.s32 @!p0 $0xEE80  }
0xb6: {  	[tilespmem:s9], [sflag:$0x4] =	stream.indirect.gather @!p0 [hbm4b:s2+s6], $0x80, s5, s6, $0xb8;
	[tilespmem:$0x1B680] =	vst v63  }
0xb7: {  	_ =	swait.ge [sflag:s30], $0x2800  }
0xb8: {  	[sflag:s30] =	ssyncset.done $0x0  }
0xb9: {  	[sflag:s30] =	ssyncadd.s32 $0xFFFFD800  }
0xba: {  	_ =	swait.ge [sflag:s31], $0x2800  }
0xbb: {  	s6 =	sadd.s32 $0x4FA0, s15;
	[sflag:s31] =	ssyncset.done $0x0  }
0xbc: {  	s9 =	simm.s32 $0x0;
	v0 =	vmov s6;
	[sflag:s31] =	ssyncadd.s32 $0xFFFFD800  }
.LBB2_11:
0xbd: {  	s5 =	sshll.u32 s9, $0x4;
	v2 =	vlaneseq.u32  }
0xbe: {  	v1 =	vmov s5;
	v3 =	vmul.u32 $0x80, v2  }
0xbf: {  	v1 =	vshll.u32 v1, $0x7  }
0xc0: {  	v1 =	vor.u32 v3, v1  }
0xc1: {  	v4 =	vadd.s32 $0x1, v2;
	v3 =	vor.u32 v1, v2  }
0xc2: {  	v4 =	vand.u32 $0x7F, v4  }
0xc3: {  	v5 =	vadd.s32 $0x2, v2;
	v4 =	vor.u32 v1, v4  }
0xc4: {  	v5 =	vand.u32 $0x7F, v5  }
0xc5: {  	v6 =	vadd.s32 $0x3, v2;
	v5 =	vor.u32 v1, v5  }
0xc6: {  	v6 =	vand.u32 $0x7F, v6;
	v8 =	vld.idx.msk [tilespmem:v3+s18+$0x0], $0xffff  }
0xc7: {  	v9 =	vor.u32 v1, v6;
	v10 =	vld.idx.msk [tilespmem:v3+s20+$0x0], $0xffff;
	v3 =	vadd.s32 $0x4, v2  }
0xc8: {  	v11 =	vld.idx.msk [tilespmem:v4+s18+$0x0], $0xffff;
	v3 =	vand.u32 $0x7F, v3  }
0xc9: {  	v12 =	vld.idx.msk [tilespmem:v4+s20+$0x0], $0xffff;
	v4 =	vadd.s32 $0x5, v2;
	v14 =	vor.u32 v1, v3  }
0xca: {  	v7 =	vld.idx.msk [tilespmem:v5+s20+$0x0], $0xffff;
	v4 =	vand.u32 $0x7F, v4  }
0xcb: {  	v3 =	vld.idx.msk [tilespmem:v5+s18+$0x0], $0xffff;
	v6 =	vor.u32 v1, v4;
	v5 =	vadd.s32 $0x6, v2  }
0xcc: {  	v4 =	vld.idx.msk [tilespmem:v9+s18+$0x0], $0xffff;
	v5 =	vand.u32 $0x7F, v5  }
0xcd: {  	v13 =	vadd.s32 $0x7, v2;
	v9 =	vld.idx.msk [tilespmem:v9+s20+$0x0], $0xffff;
	v10 =	vmul.f32 v10, v8;
	v8 =	vor.u32 v1, v5  }
0xce: {  	v15 =	vimm.f32 $0.0e+00;
	v16 =	vand.u32 $0x7F, v13;
	v5 =	vld.idx.msk [tilespmem:v14+s18+$0x0], $0xffff  }
0xcf: {  	v2 =	vadd.s32 $0x8, v2;
	v13 =	vmul.f32 v12, v11;
	v12 =	vor.u32 v1, v16;
	v11 =	vld.idx.msk [tilespmem:v14+s20+$0x0], $0xffff  }
0xd0: {  	s6 =	simm.s32 $0xF;
	v2 =	vand.u32 $0x7F, v2;
	v14 =	vadd.f32 v10, v15;
	v10 =	vld.idx.msk [tilespmem:v6+s18+$0x0], $0xffff  }
.LBB2_12:
0xd1: {  	v15 =	vor.u32 v1, v2;
	v16 =	vadd.s32 $0x1, v2;
	p1 =	sne.s32 s6, $0x1;
	s6 =	sadd.s32 $0xFFFFFFFF, s6;
	v3 =	vmul.f32 v7, v3;
	v6 =	vld.idx.msk [tilespmem:v6+s20+$0x0], $0xffff  }
0xd2: {  	v7 =	vand.u32 $0x7F, v16;
	v16 =	vadd.s32 $0x2, v2;
	v13 =	vadd.f32 v13, v14;
	v14 =	vld.idx.msk [tilespmem:v8+s18+$0x0], $0xffff  }
0xd3: {  	v4 =	vmul.f32 v9, v4;
	v7 =	vor.u32 v1, v7;
	v8 =	vld.idx.msk [tilespmem:v8+s20+$0x0], $0xffff  }
0xd4: {  	v9 =	vand.u32 $0x7F, v16;
	v3 =	vadd.f32 v3, v13;
	v13 =	vld.idx.msk [tilespmem:v12+s18+$0x0], $0xffff  }
0xd5: {  	v16 =	vadd.s32 $0x3, v2;
	v9 =	vor.u32 v1, v9;
	v5 =	vmul.f32 v11, v5;
	v11 =	vld.idx.msk [tilespmem:v12+s20+$0x0], $0xffff  }
0xd6: {  	v16 =	vand.u32 $0x7F, v16;
	v12 =	vld.idx.msk [tilespmem:v15+s18+$0x0], $0xffff;
	v3 =	vadd.f32 v4, v3  }
0xd7: {  	v16 =	vor.u32 v1, v16;
	v4 =	vadd.s32 $0x4, v2;
	v6 =	vmul.f32 v6, v10;
	v15 =	vld.idx.msk [tilespmem:v15+s20+$0x0], $0xffff  }
0xd8: {  	v4 =	vand.u32 $0x7F, v4;
	v10 =	vld.idx.msk [tilespmem:v7+s18+$0x0], $0xffff;
	v5 =	vadd.f32 v5, v3  }
0xd9: {  	v18 =	vor.u32 v1, v4;
	v4 =	vadd.s32 $0x5, v2;
	v8 =	vmul.f32 v8, v14;
	v17 =	vld.idx.msk [tilespmem:v7+s20+$0x0], $0xffff  }
0xda: {  	v4 =	vand.u32 $0x7F, v4;
	v3 =	vld.idx.msk [tilespmem:v9+s18+$0x0], $0xffff;
	v5 =	vadd.f32 v6, v5  }
0xdb: {  	v6 =	vor.u32 v1, v4;
	v11 =	vmul.f32 v11, v13;
	v7 =	vld.idx.msk [tilespmem:v9+s20+$0x0], $0xffff;
	v9 =	vadd.s32 $0x6, v2  }
.Ltmp4:
0xdc: {  	v4 =	vld.idx.msk [tilespmem:v16+s18+$0x0], $0xffff;
	v13 =	vand.u32 $0x7F, v9;
	v14 =	vadd.f32 v8, v5;
	(pc) =	sbr.rel @p1 .LBB2_12-.Ltmp4, $4  }
0xdd: {  	v15 =	vmul.f32 v15, v12;
	v12 =	vadd.s32 $0x7, v2;
	v9 =	vld.idx.msk [tilespmem:v16+s20+$0x0], $0xffff;
	v8 =	vor.u32 v1, v13  }
0xde: {  	v12 =	vand.u32 $0x7F, v12;
	v5 =	vld.idx.msk [tilespmem:v18+s18+$0x0], $0xffff;
	v14 =	vadd.f32 v11, v14  }
0xdf: {  	v2 =	vadd.s32 $0x8, v2;
	v13 =	vmul.f32 v17, v10;
	v12 =	vor.u32 v1, v12;
	v11 =	vld.idx.msk [tilespmem:v18+s20+$0x0], $0xffff  }
0xe0: {  	v2 =	vand.u32 $0x7F, v2;
	v14 =	vadd.f32 v15, v14;
	v10 =	vld.idx.msk [tilespmem:v6+s18+$0x0], $0xffff  }
0xe1: {  	_ =	sdelay $0x2  }
0xe2: {  	v1 =	vmul.f32 v7, v3;
	v2 =	vadd.f32 v13, v14  }
0xe3: {  	v3 =	vld.idx.msk [tilespmem:v6+s20+$0x0], $0xffff  }
0xe4: {  	v61 =	vld.idx.msk [tilespmem:v8+s18+$0x0], $0xffff;
	v4 =	vmul.f32 v9, v4;
	v1 =	vadd.f32 v1, v2  }
0xe5: {  	v2 =	vld.idx.msk [tilespmem:v8+s20+$0x0], $0xffff  }
0xe6: {  	v62 =	vld.idx.msk [tilespmem:v12+s18+$0x0], $0xffff;
	v5 =	vmul.f32 v11, v5;
	v1 =	vadd.f32 v4, v1  }
0xe7: {  	v63 =	vld.idx.msk [tilespmem:v12+s20+$0x0], $0xffff  }
0xe8: {  	v3 =	vmul.f32 v3, v10;
	v1 =	vadd.f32 v5, v1;
	_ =	sdelay $0x1  }
0xe9: {  	v2 =	vmul.f32 v2, v61;
	v1 =	vadd.f32 v3, v1;
	_ =	sdelay $0x1  }
0xea: {  	v3 =	vmul.f32 v63, v62;
	v1 =	vadd.f32 v2, v1;
	_ =	sdelay $0x1  }
0xeb: {  	v1 =	vadd.f32 v3, v1;
	_ =	sdelay $0x1  }
0xec: {  	v1 =	vsub.f32 $0.0e+00, v1;
	_ =	sdelay $0x1  }
0xed: {  	v1 =	vmul.f32 $1.442695020e+00, v1;
	_ =	sdelay $0x1  }
0xee: {  	(erf) = vpow2.f32 v1;
	_ =	sdelay $0x8  }
0xef: {  	v1 =	vpop (erf)  }
0xf0: {  	v1 =	vadd.f32 $1.000000000e+00, v1;
	_ =	sdelay $0x1  }
0xf1: {  	(erf) = vrcp.f32 v1;
	_ =	sdelay $0x3  }
0xf2: {  	s9 =	sadd.s32 $0x1, s9  }
0xf3: {  	p1 =	sne.s32 s9, $0x5  }
.Ltmp5:
0xf4: {  	_ = 	snop;
	(pc) =	sbr.rel @p1 .LBB2_11-.Ltmp5, $3  }
0xf5: {  	_ =	sdelay $0x1  }
0xf6: {  	v1 =	vpop (erf)  }
0xf7: {  	[tilespmem:v0+s5+$0x0 ss:$0x1] =	vst.idx.msk $0xffff, v1  }
0xf8: {  	s5 =	sadd.s32 @!p0 $0x1E0, s23;
	s6 =	simm.s32 @!p0 $0x50;
	s9 =	simm.s32 @!p0 $0x11680  }
0xf9: {  	[tilespmem:s9], [sflag:$0x5] =	stream.indirect.gather @!p0 [hbm4b:s0+s6], $0x80, s5, s6, $0xb8;
	[tilespmem:$0x1B680] =	vst v63  }
0xfa: {  	s5 =	sadd.s32 @!p0 $0x2960, s23;
	s9 =	simm.s32 @!p0 $0x13E80  }
0xfb: {  	[tilespmem:s9], [sflag:$0x6] =	stream.indirect.gather @!p0 [hbm4b:s2+s6], $0x80, s5, s6, $0xb8;
	[tilespmem:$0x1B680] =	vst v63  }
0xfc: {  	_ =	swait.ge [sflag:s3], $0x2800  }
0xfd: {  	[sflag:s3] =	ssyncset.done $0x0  }
0xfe: {  	[sflag:s3] =	ssyncadd.s32 $0xFFFFD800  }
0xff: {  	_ =	swait.ge [sflag:s1], $0x2800  }
0x100: {  	s15 =	sadd.s32 $0x4FF0, s15;
	[sflag:s1] =	ssyncset.done $0x0  }
0x101: {  	v0 =	vmov s15;
	s9 =	simm.s32 $0x0;
	[sflag:s1] =	ssyncadd.s32 $0xFFFFD800  }
.LBB2_15:
0x102: {  	s5 =	sshll.u32 s9, $0x4;
	v2 =	vlaneseq.u32  }
0x103: {  	v1 =	vmov s5;
	v3 =	vmul.u32 $0x80, v2  }
0x104: {  	v1 =	vshll.u32 v1, $0x7  }
0x105: {  	v1 =	vor.u32 v3, v1  }
0x106: {  	v4 =	vadd.s32 $0x1, v2;
	v3 =	vor.u32 v1, v2  }
0x107: {  	v4 =	vand.u32 $0x7F, v4  }
0x108: {  	v5 =	vadd.s32 $0x2, v2;
	v4 =	vor.u32 v1, v4  }
0x109: {  	v5 =	vand.u32 $0x7F, v5  }
0x10a: {  	v6 =	vadd.s32 $0x3, v2;
	v5 =	vor.u32 v1, v5  }
0x10b: {  	v6 =	vand.u32 $0x7F, v6;
	v8 =	vld.idx.msk [tilespmem:v3+s22+$0x0], $0xffff  }
0x10c: {  	v9 =	vor.u32 v1, v6;
	v10 =	vld.idx.msk [tilespmem:v3+s24+$0x0], $0xffff;
	v3 =	vadd.s32 $0x4, v2  }
0x10d: {  	v11 =	vld.idx.msk [tilespmem:v4+s22+$0x0], $0xffff;
	v3 =	vand.u32 $0x7F, v3  }
0x10e: {  	v12 =	vld.idx.msk [tilespmem:v4+s24+$0x0], $0xffff;
	v4 =	vadd.s32 $0x5, v2;
	v14 =	vor.u32 v1, v3  }
0x10f: {  	v7 =	vld.idx.msk [tilespmem:v5+s24+$0x0], $0xffff;
	v4 =	vand.u32 $0x7F, v4  }
0x110: {  	v3 =	vld.idx.msk [tilespmem:v5+s22+$0x0], $0xffff;
	v6 =	vor.u32 v1, v4;
	v5 =	vadd.s32 $0x6, v2  }
0x111: {  	v4 =	vld.idx.msk [tilespmem:v9+s22+$0x0], $0xffff;
	v5 =	vand.u32 $0x7F, v5  }
0x112: {  	v13 =	vadd.s32 $0x7, v2;
	v9 =	vld.idx.msk [tilespmem:v9+s24+$0x0], $0xffff;
	v10 =	vmul.f32 v10, v8;
	v8 =	vor.u32 v1, v5  }
0x113: {  	v15 =	vimm.f32 $0.0e+00;
	v16 =	vand.u32 $0x7F, v13;
	v5 =	vld.idx.msk [tilespmem:v14+s22+$0x0], $0xffff  }
0x114: {  	v2 =	vadd.s32 $0x8, v2;
	v13 =	vmul.f32 v12, v11;
	v12 =	vor.u32 v1, v16;
	v11 =	vld.idx.msk [tilespmem:v14+s24+$0x0], $0xffff  }
0x115: {  	s6 =	simm.s32 $0xF;
	v2 =	vand.u32 $0x7F, v2;
	v14 =	vadd.f32 v10, v15;
	v10 =	vld.idx.msk [tilespmem:v6+s22+$0x0], $0xffff  }
.LBB2_16:
0x116: {  	v15 =	vor.u32 v1, v2;
	v16 =	vadd.s32 $0x1, v2;
	p1 =	sne.s32 s6, $0x1;
	s6 =	sadd.s32 $0xFFFFFFFF, s6;
	v3 =	vmul.f32 v7, v3;
	v6 =	vld.idx.msk [tilespmem:v6+s24+$0x0], $0xffff  }
0x117: {  	v7 =	vand.u32 $0x7F, v16;
	v16 =	vadd.s32 $0x2, v2;
	v13 =	vadd.f32 v13, v14;
	v14 =	vld.idx.msk [tilespmem:v8+s22+$0x0], $0xffff  }
0x118: {  	v4 =	vmul.f32 v9, v4;
	v7 =	vor.u32 v1, v7;
	v8 =	vld.idx.msk [tilespmem:v8+s24+$0x0], $0xffff  }
0x119: {  	v9 =	vand.u32 $0x7F, v16;
	v3 =	vadd.f32 v3, v13;
	v13 =	vld.idx.msk [tilespmem:v12+s22+$0x0], $0xffff  }
0x11a: {  	v16 =	vadd.s32 $0x3, v2;
	v9 =	vor.u32 v1, v9;
	v5 =	vmul.f32 v11, v5;
	v11 =	vld.idx.msk [tilespmem:v12+s24+$0x0], $0xffff  }
0x11b: {  	v16 =	vand.u32 $0x7F, v16;
	v12 =	vld.idx.msk [tilespmem:v15+s22+$0x0], $0xffff;
	v3 =	vadd.f32 v4, v3  }
0x11c: {  	v16 =	vor.u32 v1, v16;
	v4 =	vadd.s32 $0x4, v2;
	v6 =	vmul.f32 v6, v10;
	v15 =	vld.idx.msk [tilespmem:v15+s24+$0x0], $0xffff  }
0x11d: {  	v4 =	vand.u32 $0x7F, v4;
	v10 =	vld.idx.msk [tilespmem:v7+s22+$0x0], $0xffff;
	v5 =	vadd.f32 v5, v3  }
0x11e: {  	v18 =	vor.u32 v1, v4;
	v4 =	vadd.s32 $0x5, v2;
	v8 =	vmul.f32 v8, v14;
	v17 =	vld.idx.msk [tilespmem:v7+s24+$0x0], $0xffff  }
0x11f: {  	v4 =	vand.u32 $0x7F, v4;
	v3 =	vld.idx.msk [tilespmem:v9+s22+$0x0], $0xffff;
	v5 =	vadd.f32 v6, v5  }
0x120: {  	v6 =	vor.u32 v1, v4;
	v11 =	vmul.f32 v11, v13;
	v7 =	vld.idx.msk [tilespmem:v9+s24+$0x0], $0xffff;
	v9 =	vadd.s32 $0x6, v2  }
.Ltmp6:
0x121: {  	v4 =	vld.idx.msk [tilespmem:v16+s22+$0x0], $0xffff;
	v13 =	vand.u32 $0x7F, v9;
	v14 =	vadd.f32 v8, v5;
	(pc) =	sbr.rel @p1 .LBB2_16-.Ltmp6, $4  }
0x122: {  	v15 =	vmul.f32 v15, v12;
	v12 =	vadd.s32 $0x7, v2;
	v9 =	vld.idx.msk [tilespmem:v16+s24+$0x0], $0xffff;
	v8 =	vor.u32 v1, v13  }
0x123: {  	v12 =	vand.u32 $0x7F, v12;
	v5 =	vld.idx.msk [tilespmem:v18+s22+$0x0], $0xffff;
	v14 =	vadd.f32 v11, v14  }
0x124: {  	v2 =	vadd.s32 $0x8, v2;
	v13 =	vmul.f32 v17, v10;
	v12 =	vor.u32 v1, v12;
	v11 =	vld.idx.msk [tilespmem:v18+s24+$0x0], $0xffff  }
0x125: {  	v2 =	vand.u32 $0x7F, v2;
	v14 =	vadd.f32 v15, v14;
	v10 =	vld.idx.msk [tilespmem:v6+s22+$0x0], $0xffff  }
0x126: {  	_ =	sdelay $0x2  }
0x127: {  	v1 =	vmul.f32 v7, v3;
	v2 =	vadd.f32 v13, v14  }
0x128: {  	v3 =	vld.idx.msk [tilespmem:v6+s24+$0x0], $0xffff  }
0x129: {  	v61 =	vld.idx.msk [tilespmem:v8+s22+$0x0], $0xffff;
	v4 =	vmul.f32 v9, v4;
	v1 =	vadd.f32 v1, v2  }
0x12a: {  	v2 =	vld.idx.msk [tilespmem:v8+s24+$0x0], $0xffff  }
0x12b: {  	v62 =	vld.idx.msk [tilespmem:v12+s22+$0x0], $0xffff;
	v5 =	vmul.f32 v11, v5;
	v1 =	vadd.f32 v4, v1  }
0x12c: {  	v63 =	vld.idx.msk [tilespmem:v12+s24+$0x0], $0xffff  }
0x12d: {  	v3 =	vmul.f32 v3, v10;
	v1 =	vadd.f32 v5, v1;
	_ =	sdelay $0x1  }
0x12e: {  	v2 =	vmul.f32 v2, v61;
	v1 =	vadd.f32 v3, v1;
	_ =	sdelay $0x1  }
0x12f: {  	v3 =	vmul.f32 v63, v62;
	v1 =	vadd.f32 v2, v1;
	_ =	sdelay $0x1  }
0x130: {  	v1 =	vadd.f32 v3, v1;
	_ =	sdelay $0x1  }
0x131: {  	v1 =	vsub.f32 $0.0e+00, v1;
	_ =	sdelay $0x1  }
0x132: {  	v1 =	vmul.f32 $1.442695020e+00, v1;
	_ =	sdelay $0x1  }
0x133: {  	(erf) = vpow2.f32 v1;
	_ =	sdelay $0x8  }
0x134: {  	v1 =	vpop (erf)  }
0x135: {  	v1 =	vadd.f32 $1.000000000e+00, v1;
	_ =	sdelay $0x1  }
0x136: {  	(erf) = vrcp.f32 v1;
	_ =	sdelay $0x3  }
0x137: {  	s9 =	sadd.s32 $0x1, s9  }
0x138: {  	p1 =	sne.s32 s9, $0x5  }
.Ltmp7:
0x139: {  	_ = 	snop;
	(pc) =	sbr.rel @p1 .LBB2_15-.Ltmp7, $3  }
0x13a: {  	_ =	sdelay $0x1  }
0x13b: {  	v1 =	vpop (erf)  }
0x13c: {  	[tilespmem:v0+s5+$0x0 ss:$0x1] =	vst.idx.msk $0xffff, v1  }
.Ltmp8:
0x13d: {  	(pc) =	sbr.rel @p0 .LBB2_20-.Ltmp8, $1  }
0x13e: {  	_ =	sdelay $0x3  }
.Ltmp9:
0x13f: {  	(pc) =	sbr.rel .LBB2_2-.Ltmp9, $4  }
0x140: {  	s5 =	sadd.s32 $0x230, s23  }
0x141: {  	[tilespmem:s22], [sflag:$0x7] =	stream.indirect.gather [hbm4b:s0+s11], $0x80, s5, s11, $0xb8;
	[tilespmem:$0x1B680] =	vst v63  }
0x142: {  	s23 =	sadd.s32 $0x29B0, s23;
	s21 =	sadd.s32 $0x1, s21  }
0x143: {  	[tilespmem:s24], [sflag:$0x8] =	stream.indirect.gather [hbm4b:s2+s11], $0x80, s23, s11, $0xb8;
	[tilespmem:$0x1B680] =	vst v63  }
.LBB2_20:
0x144: {  	_ =	swait.ge [sflag:s25], $0x2800  }
0x145: {  	[sflag:s25] =	ssyncset.done $0x0  }
0x146: {  	[sflag:s25] =	ssyncadd.s32 $0xFFFFD800  }
0x147: {  	_ =	swait.ge [sflag:s26], $0x2800  }
0x148: {  	[sflag:s26] =	ssyncset.done $0x0  }
0x149: {  	s9 =	simm.s32 $0x0;
	[sflag:s26] =	ssyncadd.s32 $0xFFFFD800  }
.LBB2_21:
0x14a: {  	s5 =	sshll.u32 s9, $0x4;
	v1 =	vlaneseq.u32  }
0x14b: {  	v0 =	vmov s5;
	v2 =	vmul.u32 $0x80, v1  }
0x14c: {  	v0 =	vshll.u32 v0, $0x7  }
0x14d: {  	v0 =	vor.u32 v2, v0  }
0x14e: {  	v3 =	vadd.s32 $0x1, v1;
	v2 =	vor.u32 v0, v1  }
0x14f: {  	v3 =	vand.u32 $0x7F, v3  }
0x150: {  	v4 =	vadd.s32 $0x2, v1;
	v3 =	vor.u32 v0, v3  }
0x151: {  	v4 =	vand.u32 $0x7F, v4  }
0x152: {  	v5 =	vadd.s32 $0x3, v1;
	v4 =	vor.u32 v0, v4  }
0x153: {  	v5 =	vand.u32 $0x7F, v5;
	v7 =	vld.idx.msk [tilespmem:v2+s12+$0x0], $0xffff  }
0x154: {  	v8 =	vor.u32 v0, v5;
	v9 =	vld.idx.msk [tilespmem:v2+s13+$0x0], $0xffff;
	v2 =	vadd.s32 $0x4, v1  }
0x155: {  	v10 =	vld.idx.msk [tilespmem:v3+s12+$0x0], $0xffff;
	v2 =	vand.u32 $0x7F, v2  }
0x156: {  	v11 =	vld.idx.msk [tilespmem:v3+s13+$0x0], $0xffff;
	v3 =	vadd.s32 $0x5, v1;
	v13 =	vor.u32 v0, v2  }
0x157: {  	v6 =	vld.idx.msk [tilespmem:v4+s13+$0x0], $0xffff;
	v3 =	vand.u32 $0x7F, v3  }
0x158: {  	v2 =	vld.idx.msk [tilespmem:v4+s12+$0x0], $0xffff;
	v5 =	vor.u32 v0, v3;
	v4 =	vadd.s32 $0x6, v1  }
0x159: {  	v3 =	vld.idx.msk [tilespmem:v8+s12+$0x0], $0xffff;
	v4 =	vand.u32 $0x7F, v4  }
0x15a: {  	v12 =	vadd.s32 $0x7, v1;
	v8 =	vld.idx.msk [tilespmem:v8+s13+$0x0], $0xffff;
	v9 =	vmul.f32 v9, v7;
	v7 =	vor.u32 v0, v4  }
0x15b: {  	v14 =	vimm.f32 $0.0e+00;
	v15 =	vand.u32 $0x7F, v12;
	v4 =	vld.idx.msk [tilespmem:v13+s12+$0x0], $0xffff  }
0x15c: {  	v1 =	vadd.s32 $0x8, v1;
	v12 =	vmul.f32 v11, v10;
	v11 =	vor.u32 v0, v15;
	v10 =	vld.idx.msk [tilespmem:v13+s13+$0x0], $0xffff  }
0x15d: {  	s6 =	simm.s32 $0xF;
	v1 =	vand.u32 $0x7F, v1;
	v13 =	vadd.f32 v9, v14;
	v9 =	vld.idx.msk [tilespmem:v5+s12+$0x0], $0xffff  }
.LBB2_22:
0x15e: {  	v14 =	vor.u32 v0, v1;
	v15 =	vadd.s32 $0x1, v1;
	p0 =	sne.s32 s6, $0x1;
	s6 =	sadd.s32 $0xFFFFFFFF, s6;
	v2 =	vmul.f32 v6, v2;
	v5 =	vld.idx.msk [tilespmem:v5+s13+$0x0], $0xffff  }
0x15f: {  	v6 =	vand.u32 $0x7F, v15;
	v15 =	vadd.s32 $0x2, v1;
	v12 =	vadd.f32 v12, v13;
	v13 =	vld.idx.msk [tilespmem:v7+s12+$0x0], $0xffff  }
0x160: {  	v3 =	vmul.f32 v8, v3;
	v6 =	vor.u32 v0, v6;
	v7 =	vld.idx.msk [tilespmem:v7+s13+$0x0], $0xffff  }
0x161: {  	v8 =	vand.u32 $0x7F, v15;
	v2 =	vadd.f32 v2, v12;
	v12 =	vld.idx.msk [tilespmem:v11+s12+$0x0], $0xffff  }
0x162: {  	v15 =	vadd.s32 $0x3, v1;
	v8 =	vor.u32 v0, v8;
	v4 =	vmul.f32 v10, v4;
	v10 =	vld.idx.msk [tilespmem:v11+s13+$0x0], $0xffff  }
0x163: {  	v15 =	vand.u32 $0x7F, v15;
	v11 =	vld.idx.msk [tilespmem:v14+s12+$0x0], $0xffff;
	v2 =	vadd.f32 v3, v2  }
0x164: {  	v15 =	vor.u32 v0, v15;
	v3 =	vadd.s32 $0x4, v1;
	v5 =	vmul.f32 v5, v9;
	v14 =	vld.idx.msk [tilespmem:v14+s13+$0x0], $0xffff  }
0x165: {  	v3 =	vand.u32 $0x7F, v3;
	v9 =	vld.idx.msk [tilespmem:v6+s12+$0x0], $0xffff;
	v4 =	vadd.f32 v4, v2  }
0x166: {  	v17 =	vor.u32 v0, v3;
	v3 =	vadd.s32 $0x5, v1;
	v7 =	vmul.f32 v7, v13;
	v16 =	vld.idx.msk [tilespmem:v6+s13+$0x0], $0xffff  }
0x167: {  	v3 =	vand.u32 $0x7F, v3;
	v2 =	vld.idx.msk [tilespmem:v8+s12+$0x0], $0xffff;
	v4 =	vadd.f32 v5, v4  }
0x168: {  	v5 =	vor.u32 v0, v3;
	v10 =	vmul.f32 v10, v12;
	v6 =	vld.idx.msk [tilespmem:v8+s13+$0x0], $0xffff;
	v8 =	vadd.s32 $0x6, v1  }
.Ltmp10:
0x169: {  	v3 =	vld.idx.msk [tilespmem:v15+s12+$0x0], $0xffff;
	v12 =	vand.u32 $0x7F, v8;
	v13 =	vadd.f32 v7, v4;
	(pc) =	sbr.rel @p0 .LBB2_22-.Ltmp10, $4  }
0x16a: {  	v14 =	vmul.f32 v14, v11;
	v11 =	vadd.s32 $0x7, v1;
	v8 =	vld.idx.msk [tilespmem:v15+s13+$0x0], $0xffff;
	v7 =	vor.u32 v0, v12  }
0x16b: {  	v11 =	vand.u32 $0x7F, v11;
	v4 =	vld.idx.msk [tilespmem:v17+s12+$0x0], $0xffff;
	v13 =	vadd.f32 v10, v13  }
0x16c: {  	v1 =	vadd.s32 $0x8, v1;
	v12 =	vmul.f32 v16, v9;
	v11 =	vor.u32 v0, v11;
	v10 =	vld.idx.msk [tilespmem:v17+s13+$0x0], $0xffff  }
0x16d: {  	v1 =	vand.u32 $0x7F, v1;
	v13 =	vadd.f32 v14, v13;
	v9 =	vld.idx.msk [tilespmem:v5+s12+$0x0], $0xffff  }
0x16e: {  	_ =	sdelay $0x2  }
0x16f: {  	v0 =	vmul.f32 v6, v2;
	v1 =	vadd.f32 v12, v13  }
0x170: {  	v58 =	vld.idx.msk [tilespmem:v5+s13+$0x0], $0xffff  }
0x171: {  	v59 =	vld.idx.msk [tilespmem:v7+s12+$0x0], $0xffff;
	v3 =	vmul.f32 v8, v3;
	v0 =	vadd.f32 v0, v1  }
0x172: {  	v60 =	vld.idx.msk [tilespmem:v7+s13+$0x0], $0xffff  }
0x173: {  	v61 =	vld.idx.msk [tilespmem:v11+s12+$0x0], $0xffff;
	v4 =	vmul.f32 v10, v4;
	v0 =	vadd.f32 v3, v0  }
0x174: {  	v62 =	vld.idx.msk [tilespmem:v11+s13+$0x0], $0xffff  }
0x175: {  	v2 =	vmul.f32 v58, v9;
	v0 =	vadd.f32 v4, v0;
	_ =	sdelay $0x1  }
0x176: {  	v1 =	vmul.f32 v60, v59;
	v0 =	vadd.f32 v2, v0;
	_ =	sdelay $0x1  }
0x177: {  	v63 =	vmul.f32 v62, v61;
	v0 =	vadd.f32 v1, v0;
	_ =	sdelay $0x1  }
0x178: {  	v0 =	vadd.f32 v63, v0;
	_ =	sdelay $0x1  }
0x179: {  	v0 =	vsub.f32 $0.0e+00, v0;
	_ =	sdelay $0x1  }
0x17a: {  	v0 =	vmul.f32 $1.442695020e+00, v0;
	_ =	sdelay $0x1  }
0x17b: {  	(erf) = vpow2.f32 v0;
	_ =	sdelay $0x8  }
0x17c: {  	v0 =	vpop (erf)  }
0x17d: {  	v0 =	vadd.f32 $1.000000000e+00, v0;
	_ =	sdelay $0x1  }
0x17e: {  	(erf) = vrcp.f32 v0;
	_ =	sdelay $0x3  }
0x17f: {  	s9 =	sadd.s32 $0x1, s9  }
0x180: {  	p0 =	sne.s32 s9, $0x5  }
.Ltmp11:
0x181: {  	_ = 	snop;
	(pc) =	sbr.rel @p0 .LBB2_21-.Ltmp11, $3  }
0x182: {  	_ =	sdelay $0x1  }
0x183: {  	v0 =	vpop (erf)  }
0x184: {  	[tilespmem:s5+$0x75C0] =	vst v0  }
0x185: {  	s19 =	sadd.s32 $0x1, s19  }
0x186: {  	p0 =	sne.s32 s19, s8  }
.Ltmp12:
0x187: {  	s5 =	simm.s32 $0x4F00;
	(pc) =	sbr.rel @p0 .LBB2_1-.Ltmp12, $4  }
0x188: {  	[hbm4b:s7+s4] =	stream.linear.scatter [tilespmem:s5], [sflag:$0xA], $0x2710, $0x38;
	[tilespmem:$0x1B680] =	vst v63  }
0x189: {  	_ =	swait.ge [sflag:s17], $0x2710  }
0x18a: {  	[sflag:s17] =	ssyncset.done $0x0  }
0x18b: {  	[sflag:s17] =	ssyncadd.s32 $0xFFFFD8F0  }
0x18c: {  	_ =	sfence.sel $0x180000  }
0x18d: {  	[bflag:$0x0] =	sbarrier.arrive $0xFFFF  }
0x18e: {  	_ =	strace $0x90000047  }
0x18f: {  	s0 =	stileid.u32;
	[bflag:$0x2] =	sbarrier.arrive $0xFFFF  }
0x190: {  	p0 =	sne.s32 s0, $0x0;
	s0 =	rddreg [dreg:$0x5]  }
0x191: {  	s0 =	sadd.s32 @!p0 $0x100000, s0  }
0x192: {  	[sflag:s0] =	ssyncadd.tile.s32 @!p0 $0x1;
	_ =	shalt  }
.Lfunc_end2:
_tile_overlayer_lowered:
.L_overlay_start_2:
0x193: {  	(tag) =	ssettag $0x2  }
0x194: {  	s0 =	rddreg [dreg:$0x0];
	s2 =	stileid.u32  }
0x195: {  	s1 =	rddreg [dreg:$0x1];
	p0 =	sne.s32 s2, $0x0  }
0x196: {  	s3 =	rddreg [dreg:$0x2];
	[bflag:$0x3] =	sbarrier.arrive $0xFFFF;
	s2 =	simm.s32 @!p0 $0x1C0A  }
0x197: {  	[timem:s3], [sflag:s2] =	dma.local @!p0 [hbm:s0], s1  }
0x198: {  	s0 =	simm.s32 @!p0 $0xA  }
0x199: {  	_ =	swait.ge @!p0 [sflag:s0], s1  }
0x19a: {  	s1 =	ssub.s32 @!p0 $0x0, s1;
	[sflag:s0] =	ssyncset.done @!p0 $0x0  }
0x19b: {  	[sflag:s0] =	ssyncadd.s32 @!p0 s1  }
0x19c: {  	[bflag:$0x3] =	sbarrier.arrive $0xFFFF  }
0x19d: {  	_ =	shalt  }

</sc_bundles>
